<compile_context>
chip_gen: v7x
topology: tpu7x:2x2x1
jax: 0.10.2.dev20260603
libtpu: 0.0.44.dev20260713+nightly
codegen_flags: <defaults>
</compile_context>

<pallas_src>
import functools

import jax
import jax.numpy as jnp
from jax import lax
from jax.experimental import pallas as pl
from jax.experimental.pallas import tpu as pltpu
from jax.experimental.pallas import tpu_sc as plsc

N_NODES = 10000
D = 256
N_GRAPHS = 512


NC, NS = 2, 16
NW = NC * NS
LANES = 16
CHUNK = 80
NCHUNKS = N_NODES // CHUNK
ITERS = -(-NCHUNKS // NW)

_sc_mesh = plsc.VectorSubcoreMesh(core_axis_name="c", subcore_axis_name="s")


@functools.partial(
    pl.kernel,
    out_type=jax.ShapeDtypeStruct((N_NODES, D), jnp.float32),
    mesh=_sc_mesh,
    scratch_types=[
        pltpu.VMEM((CHUNK,), jnp.int32),
        pltpu.VMEM((CHUNK, D), jnp.float32),
        pltpu.VMEM((CHUNK, D), jnp.float32),
        pltpu.SemaphoreType.DMA,
        pltpu.SemaphoreType.DMA,
    ],
)
def _sc_gather_add(x_hbm, batch_hbm, vx_hbm, h_hbm,
                   idx_v, x_v, rows_v, sem_x, sem_g):
    cid = lax.axis_index("c")
    sid = lax.axis_index("s")
    wid = cid * NS + sid

    @pl.loop(0, ITERS)
    def _(it):
        k = wid + it * NW

        @pl.when(k < NCHUNKS)
        def _():
            base = k * CHUNK
            pltpu.sync_copy(batch_hbm.at[pl.ds(base, CHUNK)], idx_v)
            cp_x = pltpu.async_copy(x_hbm.at[pl.ds(base, CHUNK)], x_v, sem_x)
            cp_g = pltpu.async_copy(vx_hbm.at[idx_v], rows_v, sem_g)
            cp_x.wait()
            cp_g.wait()

            @pl.loop(0, CHUNK, unroll=2)
            def _(i):
                for j in range(0, D, LANES):
                    slc = (pl.ds(i, 1), pl.ds(j, LANES))
                    rows_v.at[*slc][...] = rows_v.at[*slc][...] + x_v.at[*slc][...]

            pltpu.sync_copy(rows_v, h_hbm.at[pl.ds(base, CHUNK)])



BLOCK = 400
GRID = N_NODES // BLOCK


def _tc_body(x_ref, batch_ref, vx_ref, W0_ref, W1_ref, bsum_ref, s_ref, t_ref,
             v_ref, pool_acc, cnt_acc):
    i = pl.program_id(0)

    ids = batch_ref[0, 0, :]
    M = (ids[:, None] == lax.broadcasted_iota(jnp.int32, (BLOCK, N_GRAPHS), 1)
         ).astype(jnp.float32)

    part = lax.dot_general(M, x_ref[...], (((0,), (0,)), ((), ())),
                           preferred_element_type=jnp.float32)
    cnt = jnp.sum(M, axis=0).reshape(N_GRAPHS, 1)

    @pl.when(i == 0)
    def _():
        pool_acc[...] = part
        cnt_acc[...] = cnt

    @pl.when(i > 0)
    def _():
        pool_acc[...] += part
        cnt_acc[...] += cnt

    @pl.when(i == GRID - 1)
    def _():
        pooled = pool_acc[...] + cnt_acc[...] * vx_ref[...]
        A = lax.dot_general(vx_ref[...], W0_ref[...], (((1,), (1,)), ((), ())),
                            preferred_element_type=jnp.float32)
        P = lax.dot_general(pooled, W1_ref[...], (((1,), (1,)), ((), ())),
                            preferred_element_type=jnp.float32)
        v = (A + P + bsum_ref[...]) * s_ref[...] + t_ref[...]
        v_ref[...] = jnp.maximum(v, 0.0)


def kernel(x, edge_index, batch, vx, W0_w, W0_b, W1_w, W1_b,
           bn_gamma, bn_beta, bn_mean, bn_var):
    del edge_index
    h = _sc_gather_add(x, batch, vx)

    s = bn_gamma * lax.rsqrt(bn_var + 1e-5)
    t = bn_beta - bn_mean * s
    bsum = (W0_b + W1_b).reshape(1, D)
    batch3 = batch.reshape(GRID, 1, BLOCK)

    v = pl.pallas_call(
        _tc_body,
        grid=(GRID,),
        in_specs=[
            pl.BlockSpec((BLOCK, D), lambda i: (i, 0)),
            pl.BlockSpec((1, 1, BLOCK), lambda i: (i, 0, 0)),
            pl.BlockSpec((N_GRAPHS, D), lambda i: (0, 0)),
            pl.BlockSpec((D, D), lambda i: (0, 0)),
            pl.BlockSpec((D, D), lambda i: (0, 0)),
            pl.BlockSpec((1, D), lambda i: (0, 0)),
            pl.BlockSpec((1, D), lambda i: (0, 0)),
            pl.BlockSpec((1, D), lambda i: (0, 0)),
        ],
        out_specs=pl.BlockSpec((N_GRAPHS, D), lambda i: (0, 0)),
        out_shape=jax.ShapeDtypeStruct((N_GRAPHS, D), jnp.float32),
        scratch_shapes=[
            pltpu.VMEM((N_GRAPHS, D), jnp.float32),
            pltpu.VMEM((N_GRAPHS, 1), jnp.float32),
        ],
    )(x, batch3, vx, W0_w, W1_w, bsum, s.reshape(1, D), t.reshape(1, D))
    return (h, v)

# --- scband reference (transcript-rebuilt; emitter-appended) ---
"""Pipeline reference for scband-virtual-node-72456098283794 (READ-ONLY COPY).

The authoritative reference and input builder live on the scoring server;
editing this copy changes nothing except your own understanding.
"""

import jax, jax.numpy as jnp
import numpy as np

N_NODES = 10000
D = 256
N_EDGES = 160000
N_GRAPHS = 512
BN_EPS = 1e-5


def setup_inputs(seed: int = 0) -> dict:
    key = jax.random.key(seed)
    ks = jax.random.split(key, 12)
    x = jax.random.normal(ks[0], (N_NODES, D), dtype=jnp.float32)
    edge_index = jax.random.randint(ks[1], (2, N_EDGES), 0, N_NODES, dtype=jnp.int32)
    batch = jnp.sort(jax.random.randint(ks[2], (N_NODES,), 0, N_GRAPHS, dtype=jnp.int32))
    vx = jax.random.normal(ks[3], (N_GRAPHS, D), dtype=jnp.float32)
    # learned params: W0, W1 linear layers (out_feats x in_feats), BatchNorm1d affine + running stats
    W0_w = jax.random.normal(ks[4], (D, D), dtype=jnp.float32) * (1.0 / np.sqrt(D))
    W0_b = jnp.zeros((D,), dtype=jnp.float32)
    W1_w = jax.random.normal(ks[5], (D, D), dtype=jnp.float32) * (1.0 / np.sqrt(D))
    W1_b = jnp.zeros((D,), dtype=jnp.float32)
    bn_gamma = jnp.ones((D,), dtype=jnp.float32)
    bn_beta = jnp.zeros((D,), dtype=jnp.float32)
    bn_mean = jnp.zeros((D,), dtype=jnp.float32)
    bn_var = jnp.ones((D,), dtype=jnp.float32)
    return {"x": x, "edge_index": edge_index, "batch": batch, "vx": vx,
            "W0_w": W0_w, "W0_b": W0_b, "W1_w": W1_w, "W1_b": W1_b,
            "bn_gamma": bn_gamma, "bn_beta": bn_beta, "bn_mean": bn_mean, "bn_var": bn_var}


def reference(x, edge_index, batch, vx, W0_w, W0_b, W1_w, W1_b, bn_gamma, bn_beta, bn_mean, bn_var):
    # update_node_emb: add virtual-node message to graph nodes (gather by graph id)
    h = x + jnp.take(vx, batch, axis=0)
    # update_vn_emb: vx = W0(vx) + W1(global_add_pool(h, batch)), then BN + ReLU (eval mode), dropout=identity in eval
    pooled = jax.ops.segment_sum(h, batch, num_segments=vx.shape[0])
    v = vx @ W0_w.T + W0_b + pooled @ W1_w.T + W1_b
    v = bn_gamma * (v - bn_mean) / jnp.sqrt(bn_var + BN_EPS) + bn_beta
    v = jax.nn.relu(v)
    return (h, v)

if __name__ == "__main__":
    import jax
    _d = setup_inputs()
    print(jax.jit(kernel)(*tuple(_d.values())))

</pallas_src>

<mosaic_0001>
#map = affine_map<(d0, d1) -> (0, 0)>
#map1 = affine_map<(d0, d1) -> (0)>
module attributes {stable_mosaic.version = 14 : i64} {
  func.func @_sc_gather_add(%arg0: i32, %arg1: i32, %arg2: memref<10000x256xf32, #tpu.memory_space<hbm>>, %arg3: memref<10000xi32, #tpu.memory_space<hbm>>, %arg4: memref<512x256xf32, #tpu.memory_space<hbm>>, %arg5: memref<10000x256xf32, #tpu.memory_space<hbm>>, %arg6: memref<80xi32, #tpu.memory_space<vmem>>, %arg7: memref<80x256xf32, #tpu.memory_space<vmem>>, %arg8: memref<80x256xf32, #tpu.memory_space<vmem>>, %arg9: memref<!tpu.dma_semaphore, #tpu.memory_space<semaphore_mem>>, %arg10: memref<!tpu.dma_semaphore, #tpu.memory_space<semaphore_mem>>) attributes {dimension_semantics = [#tpu.dimension_semantics<core_parallel>, #tpu.dimension_semantics<subcore_parallel>], iteration_bounds = array<i64: 2, 16>, scalar_prefetch = 0 : i64, scratch_operands = 5 : i64, tpu.core_type = #tpu.core_type<sc_vector_subcore>, window_params = [{transform_indices = #map}, {transform_indices = #map1}, {transform_indices = #map}, {transform_indices = #map}]} {
    %mul3A = arith.constant 16 : i32
    %mul3A_0 = arith.muli %arg0, %mul3A : i32
    %add3A = arith.addi %mul3A_0, %arg1 : i32
    %scan3A = arith.constant 0 : i32
    %scan3A_1 = arith.constant 4 : i32
    %scan3A_2 = arith.addi %scan3A, %scan3A_1 : i32
    %scan3A_3 = arith.constant 1 : i32
    scf.for %scan3A_5 = %scan3A to %scan3A_2 step %scan3A_3  : i32 {
      %mul3A_6 = arith.constant 1 : i32
      %mul3A_7 = arith.muli %scan3A_5, %mul3A_6 : i32
      %add3A_8 = arith.constant 0 : i32
      %add3A_9 = arith.addi %add3A_8, %mul3A_7 : i32
      %mul3A_10 = arith.constant 32 : i32
      %mul3A_11 = arith.muli %add3A_9, %mul3A_10 : i32
      %add3A_12 = arith.addi %add3A, %mul3A_11 : i32
      %lt3A = arith.constant 125 : i32
      %lt3A_13 = arith.cmpi slt, %add3A_12, %lt3A : i32
      %convert_element_type3A = arith.extui %lt3A_13 : i1 to i32
      %cond3A = arith.constant 0 : i32
      %cond3A_14 = arith.cmpi ne, %convert_element_type3A, %cond3A : i32
      scf.if %cond3A_14 {
        %mul3A_15 = arith.constant 80 : i32
        %mul3A_16 = arith.muli %add3A_12, %mul3A_15 : i32
        "tpu.region"() ({
          %run_scoped3A = tpu.sem_alloc : memref<!tpu.dma_semaphore, #tpu.memory_space<semaphore_mem>>
          %dma_start3A_34 = tpu.memref_slice %arg3[%mul3A_16] : memref<10000xi32, #tpu.memory_space<hbm>> -> memref<80xi32, #tpu.memory_space<hbm>>
          %dma_start3A_35 = tpu.memref_slice %arg3[%mul3A_16] : memref<10000xi32, #tpu.memory_space<hbm>> -> memref<80xi32, #tpu.memory_space<hbm>>
          tpu.enqueue_dma source(%dma_start3A_35 : memref<80xi32, #tpu.memory_space<hbm>>) target(%arg6 : memref<80xi32, #tpu.memory_space<vmem>>) target_semaphore(%run_scoped3A : memref<!tpu.dma_semaphore, #tpu.memory_space<semaphore_mem>>)
          %dma_wait3A_36 = tpu.memref_slice %arg3[%mul3A_16] : memref<10000xi32, #tpu.memory_space<hbm>> -> memref<80xi32, #tpu.memory_space<hbm>>
          %dma_wait3A_37 = tpu.memref_slice %arg3[%mul3A_16] : memref<10000xi32, #tpu.memory_space<hbm>> -> memref<80xi32, #tpu.memory_space<hbm>>
          tpu.wait_dma2 semaphore(%run_scoped3A : memref<!tpu.dma_semaphore, #tpu.memory_space<semaphore_mem>>) src(%dma_wait3A_37 : memref<80xi32, #tpu.memory_space<hbm>>) dst(%arg6 : memref<80xi32, #tpu.memory_space<vmem>>)
          tpu.yield
        }) : () -> ()
        %dma_start3A = arith.constant 0 : i32
        %dma_start3A_17 = tpu.memref_slice %arg2[%mul3A_16, %dma_start3A] : memref<10000x256xf32, #tpu.memory_space<hbm>> -> memref<80x256xf32, #tpu.memory_space<hbm>>
        %dma_start3A_18 = arith.constant 0 : i32
        %dma_start3A_19 = tpu.memref_slice %arg2[%mul3A_16, %dma_start3A_18] : memref<10000x256xf32, #tpu.memory_space<hbm>> -> memref<80x256xf32, #tpu.memory_space<hbm>>
        tpu.enqueue_dma source(%dma_start3A_19 : memref<80x256xf32, #tpu.memory_space<hbm>>) target(%arg7 : memref<80x256xf32, #tpu.memory_space<vmem>>) target_semaphore(%arg9 : memref<!tpu.dma_semaphore, #tpu.memory_space<semaphore_mem>>)
        %dma_start3A_20 = arith.constant 0 : i32
        %dma_start3A_21 = arith.constant 0 : i32
        %dma_start3A_22 = tpu.memref_slice %arg4[%dma_start3A_20, %dma_start3A_21] : memref<512x256xf32, #tpu.memory_space<hbm>> -> memref<512x256xf32, #tpu.memory_space<hbm>>
        tpu.enqueue_indirect_dma source(%dma_start3A_22 : memref<512x256xf32, #tpu.memory_space<hbm>>) target(%arg8 : memref<80x256xf32, #tpu.memory_space<vmem>>) offsets(%arg6 : memref<80xi32, #tpu.memory_space<vmem>>) semaphore(%arg10 : memref<!tpu.dma_semaphore, #tpu.memory_space<semaphore_mem>>)
        %dma_wait3A = arith.constant 0 : i32
        %dma_wait3A_23 = tpu.memref_slice %arg2[%mul3A_16, %dma_wait3A] : memref<10000x256xf32, #tpu.memory_space<hbm>> -> memref<80x256xf32, #tpu.memory_space<hbm>>
        %dma_wait3A_24 = arith.constant 0 : i32
        %dma_wait3A_25 = tpu.memref_slice %arg2[%mul3A_16, %dma_wait3A_24] : memref<10000x256xf32, #tpu.memory_space<hbm>> -> memref<80x256xf32, #tpu.memory_space<hbm>>
        tpu.wait_dma2 semaphore(%arg9 : memref<!tpu.dma_semaphore, #tpu.memory_space<semaphore_mem>>) src(%dma_wait3A_25 : memref<80x256xf32, #tpu.memory_space<hbm>>) dst(%arg7 : memref<80x256xf32, #tpu.memory_space<vmem>>)
        %dma_wait3A_26 = arith.constant 0 : i32
        %dma_wait3A_27 = arith.constant 0 : i32
        %dma_wait3A_28 = tpu.memref_slice %arg4[%dma_wait3A_26, %dma_wait3A_27] : memref<512x256xf32, #tpu.memory_space<hbm>> -> memref<512x256xf32, #tpu.memory_space<hbm>>
        tpu.wait_indirect_dma semaphore(%arg10 : memref<!tpu.dma_semaphore, #tpu.memory_space<semaphore_mem>>) src(%dma_wait3A_28 : memref<512x256xf32, #tpu.memory_space<hbm>>) dst(%arg8 : memref<80x256xf32, #tpu.memory_space<vmem>>)
        %scan3A_29 = arith.constant 0 : i32
        %scan3A_30 = arith.constant 80 : i32
        %scan3A_31 = arith.addi %scan3A_29, %scan3A_30 : i32
        %scan3A_32 = arith.constant 2 : i32
        scf.for %scan3A_34 = %scan3A_29 to %scan3A_31 step %scan3A_32  : i32 {
          %mul3A_35 = arith.constant 1 : i32
          %mul3A_36 = arith.muli %scan3A_34, %mul3A_35 : i32
          %add3A_37 = arith.constant 0 : i32
          %add3A_38 = arith.addi %add3A_37, %mul3A_36 : i32
          %get3A = arith.index_cast %add3A_38 : i32 to index
          %get3A_39 = arith.constant 0 : index
          %get3A_40 = tpu.vector_load %arg8[%get3A, %get3A_39] {strides = array<i32>} : memref<80x256xf32, #tpu.memory_space<vmem>>, vector<1x16xf32>,
          %get3A_41 = vector.shape_cast %get3A_40 : vector<1x16xf32> to vector<1x16xf32>
          %get3A_42 = arith.index_cast %add3A_38 : i32 to index
          %get3A_43 = arith.constant 0 : index
          %get3A_44 = tpu.vector_load %arg7[%get3A_42, %get3A_43] {strides = array<i32>} : memref<80x256xf32, #tpu.memory_space<vmem>>, vector<1x16xf32>,
          %get3A_45 = vector.shape_cast %get3A_44 : vector<1x16xf32> to vector<1x16xf32>
          %add3A_46 = arith.addf %get3A_41, %get3A_45 : vector<1x16xf32>
          %swap3A = arith.index_cast %add3A_38 : i32 to index
          %swap3A_47 = arith.constant 0 : index
          %swap3A_48 = tpu.vector_load %arg8[%swap3A, %swap3A_47] {strides = array<i32>} : memref<80x256xf32, #tpu.memory_space<vmem>>, vector<1x16xf32>,
          %swap3A_49 = vector.shape_cast %swap3A_48 : vector<1x16xf32> to vector<1x16xf32>
          %swap3A_50 = vector.shape_cast %add3A_46 : vector<1x16xf32> to vector<1x16xf32>
          tpu.vector_store %arg8[%swap3A, %swap3A_47], %swap3A_50 {strides = array<i32>} : memref<80x256xf32, #tpu.memory_space<vmem>>, vector<1x16xf32>,
          %get3A_51 = arith.index_cast %add3A_38 : i32 to index
          %get3A_52 = arith.constant 16 : index
          %get3A_53 = tpu.vector_load %arg8[%get3A_51, %get3A_52] {strides = array<i32>} : memref<80x256xf32, #tpu.memory_space<vmem>>, vector<1x16xf32>,
          %get3A_54 = vector.shape_cast %get3A_53 : vector<1x16xf32> to vector<1x16xf32>
          %get3A_55 = arith.index_cast %add3A_38 : i32 to index
          %get3A_56 = arith.constant 16 : index
          %get3A_57 = tpu.vector_load %arg7[%get3A_55, %get3A_56] {strides = array<i32>} : memref<80x256xf32, #tpu.memory_space<vmem>>, vector<1x16xf32>,
          %get3A_58 = vector.shape_cast %get3A_57 : vector<1x16xf32> to vector<1x16xf32>
          %add3A_59 = arith.addf %get3A_54, %get3A_58 : vector<1x16xf32>
          %swap3A_60 = arith.index_cast %add3A_38 : i32 to index
          %swap3A_61 = arith.constant 16 : index
          %swap3A_62 = tpu.vector_load %arg8[%swap3A_60, %swap3A_61] {strides = array<i32>} : memref<80x256xf32, #tpu.memory_space<vmem>>, vector<1x16xf32>,
          %swap3A_63 = vector.shape_cast %swap3A_62 : vector<1x16xf32> to vector<1x16xf32>
          %swap3A_64 = vector.shape_cast %add3A_59 : vector<1x16xf32> to vector<1x16xf32>
          tpu.vector_store %arg8[%swap3A_60, %swap3A_61], %swap3A_64 {strides = array<i32>} : memref<80x256xf32, #tpu.memory_space<vmem>>, vector<1x16xf32>,
          %get3A_65 = arith.index_cast %add3A_38 : i32 to index
          %get3A_66 = arith.constant 32 : index
          %get3A_67 = tpu.vector_load %arg8[%get3A_65, %get3A_66] {strides = array<i32>} : memref<80x256xf32, #tpu.memory_space<vmem>>, vector<1x16xf32>,
          %get3A_68 = vector.shape_cast %get3A_67 : vector<1x16xf32> to vector<1x16xf32>
          %get3A_69 = arith.index_cast %add3A_38 : i32 to index
          %get3A_70 = arith.constant 32 : index
          %get3A_71 = tpu.vector_load %arg7[%get3A_69, %get3A_70] {strides = array<i32>} : memref<80x256xf32, #tpu.memory_space<vmem>>, vector<1x16xf32>,
          %get3A_72 = vector.shape_cast %get3A_71 : vector<1x16xf32> to vector<1x16xf32>
          %add3A_73 = arith.addf %get3A_68, %get3A_72 : vector<1x16xf32>
          %swap3A_74 = arith.index_cast %add3A_38 : i32 to index
          %swap3A_75 = arith.constant 32 : index
          %swap3A_76 = tpu.vector_load %arg8[%swap3A_74, %swap3A_75] {strides = array<i32>} : memref<80x256xf32, #tpu.memory_space<vmem>>, vector<1x16xf32>,
          %swap3A_77 = vector.shape_cast %swap3A_76 : vector<1x16xf32> to vector<1x16xf32>
          %swap3A_78 = vector.shape_cast %add3A_73 : vector<1x16xf32> to vector<1x16xf32>
          tpu.vector_store %arg8[%swap3A_74, %swap3A_75], %swap3A_78 {strides = array<i32>} : memref<80x256xf32, #tpu.memory_space<vmem>>, vector<1x16xf32>,
          %get3A_79 = arith.index_cast %add3A_38 : i32 to index
          %get3A_80 = arith.constant 48 : index
          %get3A_81 = tpu.vector_load %arg8[%get3A_79, %get3A_80] {strides = array<i32>} : memref<80x256xf32, #tpu.memory_space<vmem>>, vector<1x16xf32>,
          %get3A_82 = vector.shape_cast %get3A_81 : vector<1x16xf32> to vector<1x16xf32>
          %get3A_83 = arith.index_cast %add3A_38 : i32 to index
          %get3A_84 = arith.constant 48 : index
          %get3A_85 = tpu.vector_load %arg7[%get3A_83, %get3A_84] {strides = array<i32>} : memref<80x256xf32, #tpu.memory_space<vmem>>, vector<1x16xf32>,
          %get3A_86 = vector.shape_cast %get3A_85 : vector<1x16xf32> to vector<1x16xf32>
          %add3A_87 = arith.addf %get3A_82, %get3A_86 : vector<1x16xf32>
          %swap3A_88 = arith.index_cast %add3A_38 : i32 to index
          %swap3A_89 = arith.constant 48 : index
          %swap3A_90 = tpu.vector_load %arg8[%swap3A_88, %swap3A_89] {strides = array<i32>} : memref<80x256xf32, #tpu.memory_space<vmem>>, vector<1x16xf32>,
          %swap3A_91 = vector.shape_cast %swap3A_90 : vector<1x16xf32> to vector<1x16xf32>
          %swap3A_92 = vector.shape_cast %add3A_87 : vector<1x16xf32> to vector<1x16xf32>
          tpu.vector_store %arg8[%swap3A_88, %swap3A_89], %swap3A_92 {strides = array<i32>} : memref<80x256xf32, #tpu.memory_space<vmem>>, vector<1x16xf32>,
          %get3A_93 = arith.index_cast %add3A_38 : i32 to index
          %get3A_94 = arith.constant 64 : index
          %get3A_95 = tpu.vector_load %arg8[%get3A_93, %get3A_94] {strides = array<i32>} : memref<80x256xf32, #tpu.memory_space<vmem>>, vector<1x16xf32>,
          %get3A_96 = vector.shape_cast %get3A_95 : vector<1x16xf32> to vector<1x16xf32>
          %get3A_97 = arith.index_cast %add3A_38 : i32 to index
          %get3A_98 = arith.constant 64 : index
          %get3A_99 = tpu.vector_load %arg7[%get3A_97, %get3A_98] {strides = array<i32>} : memref<80x256xf32, #tpu.memory_space<vmem>>, vector<1x16xf32>,
          %get3A_100 = vector.shape_cast %get3A_99 : vector<1x16xf32> to vector<1x16xf32>
          %add3A_101 = arith.addf %get3A_96, %get3A_100 : vector<1x16xf32>
          %swap3A_102 = arith.index_cast %add3A_38 : i32 to index
          %swap3A_103 = arith.constant 64 : index
          %swap3A_104 = tpu.vector_load %arg8[%swap3A_102, %swap3A_103] {strides = array<i32>} : memref<80x256xf32, #tpu.memory_space<vmem>>, vector<1x16xf32>,
          %swap3A_105 = vector.shape_cast %swap3A_104 : vector<1x16xf32> to vector<1x16xf32>
          %swap3A_106 = vector.shape_cast %add3A_101 : vector<1x16xf32> to vector<1x16xf32>
          tpu.vector_store %arg8[%swap3A_102, %swap3A_103], %swap3A_106 {strides = array<i32>} : memref<80x256xf32, #tpu.memory_space<vmem>>, vector<1x16xf32>,
          %get3A_107 = arith.index_cast %add3A_38 : i32 to index
          %get3A_108 = arith.constant 80 : index
          %get3A_109 = tpu.vector_load %arg8[%get3A_107, %get3A_108] {strides = array<i32>} : memref<80x256xf32, #tpu.memory_space<vmem>>, vector<1x16xf32>,
          %get3A_110 = vector.shape_cast %get3A_109 : vector<1x16xf32> to vector<1x16xf32>
          %get3A_111 = arith.index_cast %add3A_38 : i32 to index
          %get3A_112 = arith.constant 80 : index
          %get3A_113 = tpu.vector_load %arg7[%get3A_111, %get3A_112] {strides = array<i32>} : memref<80x256xf32, #tpu.memory_space<vmem>>, vector<1x16xf32>,
          %get3A_114 = vector.shape_cast %get3A_113 : vector<1x16xf32> to vector<1x16xf32>
          %add3A_115 = arith.addf %get3A_110, %get3A_114 : vector<1x16xf32>
          %swap3A_116 = arith.index_cast %add3A_38 : i32 to index
          %swap3A_117 = arith.constant 80 : index
          %swap3A_118 = tpu.vector_load %arg8[%swap3A_116, %swap3A_117] {strides = array<i32>} : memref<80x256xf32, #tpu.memory_space<vmem>>, vector<1x16xf32>,
          %swap3A_119 = vector.shape_cast %swap3A_118 : vector<1x16xf32> to vector<1x16xf32>
          %swap3A_120 = vector.shape_cast %add3A_115 : vector<1x16xf32> to vector<1x16xf32>
          tpu.vector_store %arg8[%swap3A_116, %swap3A_117], %swap3A_120 {strides = array<i32>} : memref<80x256xf32, #tpu.memory_space<vmem>>, vector<1x16xf32>,
          %get3A_121 = arith.index_cast %add3A_38 : i32 to index
          %get3A_122 = arith.constant 96 : index
          %get3A_123 = tpu.vector_load %arg8[%get3A_121, %get3A_122] {strides = array<i32>} : memref<80x256xf32, #tpu.memory_space<vmem>>, vector<1x16xf32>,
          %get3A_124 = vector.shape_cast %get3A_123 : vector<1x16xf32> to vector<1x16xf32>
          %get3A_125 = arith.index_cast %add3A_38 : i32 to index
          %get3A_126 = arith.constant 96 : index
          %get3A_127 = tpu.vector_load %arg7[%get3A_125, %get3A_126] {strides = array<i32>} : memref<80x256xf32, #tpu.memory_space<vmem>>, vector<1x16xf32>,
          %get3A_128 = vector.shape_cast %get3A_127 : vector<1x16xf32> to vector<1x16xf32>
          %add3A_129 = arith.addf %get3A_124, %get3A_128 : vector<1x16xf32>
          %swap3A_130 = arith.index_cast %add3A_38 : i32 to index
          %swap3A_131 = arith.constant 96 : index
          %swap3A_132 = tpu.vector_load %arg8[%swap3A_130, %swap3A_131] {strides = array<i32>} : memref<80x256xf32, #tpu.memory_space<vmem>>, vector<1x16xf32>,
          %swap3A_133 = vector.shape_cast %swap3A_132 : vector<1x16xf32> to vector<1x16xf32>
          %swap3A_134 = vector.shape_cast %add3A_129 : vector<1x16xf32> to vector<1x16xf32>
          tpu.vector_store %arg8[%swap3A_130, %swap3A_131], %swap3A_134 {strides = array<i32>} : memref<80x256xf32, #tpu.memory_space<vmem>>, vector<1x16xf32>,
          %get3A_135 = arith.index_cast %add3A_38 : i32 to index
          %get3A_136 = arith.constant 112 : index
          %get3A_137 = tpu.vector_load %arg8[%get3A_135, %get3A_136] {strides = array<i32>} : memref<80x256xf32, #tpu.memory_space<vmem>>, vector<1x16xf32>,
          %get3A_138 = vector.shape_cast %get3A_137 : vector<1x16xf32> to vector<1x16xf32>
          %get3A_139 = arith.index_cast %add3A_38 : i32 to index
          %get3A_140 = arith.constant 112 : index
          %get3A_141 = tpu.vector_load %arg7[%get3A_139, %get3A_140] {strides = array<i32>} : memref<80x256xf32, #tpu.memory_space<vmem>>, vector<1x16xf32>,
          %get3A_142 = vector.shape_cast %get3A_141 : vector<1x16xf32> to vector<1x16xf32>
          %add3A_143 = arith.addf %get3A_138, %get3A_142 : vector<1x16xf32>
          %swap3A_144 = arith.index_cast %add3A_38 : i32 to index
          %swap3A_145 = arith.constant 112 : index
          %swap3A_146 = tpu.vector_load %arg8[%swap3A_144, %swap3A_145] {strides = array<i32>} : memref<80x256xf32, #tpu.memory_space<vmem>>, vector<1x16xf32>,
          %swap3A_147 = vector.shape_cast %swap3A_146 : vector<1x16xf32> to vector<1x16xf32>
          %swap3A_148 = vector.shape_cast %add3A_143 : vector<1x16xf32> to vector<1x16xf32>
          tpu.vector_store %arg8[%swap3A_144, %swap3A_145], %swap3A_148 {strides = array<i32>} : memref<80x256xf32, #tpu.memory_space<vmem>>, vector<1x16xf32>,
          %get3A_149 = arith.index_cast %add3A_38 : i32 to index
          %get3A_150 = arith.constant 128 : index
          %get3A_151 = tpu.vector_load %arg8[%get3A_149, %get3A_150] {strides = array<i32>} : memref<80x256xf32, #tpu.memory_space<vmem>>, vector<1x16xf32>,
          %get3A_152 = vector.shape_cast %get3A_151 : vector<1x16xf32> to vector<1x16xf32>
          %get3A_153 = arith.index_cast %add3A_38 : i32 to index
          %get3A_154 = arith.constant 128 : index
          %get3A_155 = tpu.vector_load %arg7[%get3A_153, %get3A_154] {strides = array<i32>} : memref<80x256xf32, #tpu.memory_space<vmem>>, vector<1x16xf32>,
          %get3A_156 = vector.shape_cast %get3A_155 : vector<1x16xf32> to vector<1x16xf32>
          %add3A_157 = arith.addf %get3A_152, %get3A_156 : vector<1x16xf32>
          %swap3A_158 = arith.index_cast %add3A_38 : i32 to index
          %swap3A_159 = arith.constant 128 : index
          %swap3A_160 = tpu.vector_load %arg8[%swap3A_158, %swap3A_159] {strides = array<i32>} : memref<80x256xf32, #tpu.memory_space<vmem>>, vector<1x16xf32>,
          %swap3A_161 = vector.shape_cast %swap3A_160 : vector<1x16xf32> to vector<1x16xf32>
          %swap3A_162 = vector.shape_cast %add3A_157 : vector<1x16xf32> to vector<1x16xf32>
          tpu.vector_store %arg8[%swap3A_158, %swap3A_159], %swap3A_162 {strides = array<i32>} : memref<80x256xf32, #tpu.memory_space<vmem>>, vector<1x16xf32>,
          %get3A_163 = arith.index_cast %add3A_38 : i32 to index
          %get3A_164 = arith.constant 144 : index
          %get3A_165 = tpu.vector_load %arg8[%get3A_163, %get3A_164] {strides = array<i32>} : memref<80x256xf32, #tpu.memory_space<vmem>>, vector<1x16xf32>,
          %get3A_166 = vector.shape_cast %get3A_165 : vector<1x16xf32> to vector<1x16xf32>
          %get3A_167 = arith.index_cast %add3A_38 : i32 to index
          %get3A_168 = arith.constant 144 : index
          %get3A_169 = tpu.vector_load %arg7[%get3A_167, %get3A_168] {strides = array<i32>} : memref<80x256xf32, #tpu.memory_space<vmem>>, vector<1x16xf32>,
          %get3A_170 = vector.shape_cast %get3A_169 : vector<1x16xf32> to vector<1x16xf32>
          %add3A_171 = arith.addf %get3A_166, %get3A_170 : vector<1x16xf32>
          %swap3A_172 = arith.index_cast %add3A_38 : i32 to index
          %swap3A_173 = arith.constant 144 : index
          %swap3A_174 = tpu.vector_load %arg8[%swap3A_172, %swap3A_173] {strides = array<i32>} : memref<80x256xf32, #tpu.memory_space<vmem>>, vector<1x16xf32>,
          %swap3A_175 = vector.shape_cast %swap3A_174 : vector<1x16xf32> to vector<1x16xf32>
          %swap3A_176 = vector.shape_cast %add3A_171 : vector<1x16xf32> to vector<1x16xf32>
          tpu.vector_store %arg8[%swap3A_172, %swap3A_173], %swap3A_176 {strides = array<i32>} : memref<80x256xf32, #tpu.memory_space<vmem>>, vector<1x16xf32>,
          %get3A_177 = arith.index_cast %add3A_38 : i32 to index
          %get3A_178 = arith.constant 160 : index
          %get3A_179 = tpu.vector_load %arg8[%get3A_177, %get3A_178] {strides = array<i32>} : memref<80x256xf32, #tpu.memory_space<vmem>>, vector<1x16xf32>,
          %get3A_180 = vector.shape_cast %get3A_179 : vector<1x16xf32> to vector<1x16xf32>
          %get3A_181 = arith.index_cast %add3A_38 : i32 to index
          %get3A_182 = arith.constant 160 : index
          %get3A_183 = tpu.vector_load %arg7[%get3A_181, %get3A_182] {strides = array<i32>} : memref<80x256xf32, #tpu.memory_space<vmem>>, vector<1x16xf32>,
          %get3A_184 = vector.shape_cast %get3A_183 : vector<1x16xf32> to vector<1x16xf32>
          %add3A_185 = arith.addf %get3A_180, %get3A_184 : vector<1x16xf32>
          %swap3A_186 = arith.index_cast %add3A_38 : i32 to index
          %swap3A_187 = arith.constant 160 : index
          %swap3A_188 = tpu.vector_load %arg8[%swap3A_186, %swap3A_187] {strides = array<i32>} : memref<80x256xf32, #tpu.memory_space<vmem>>, vector<1x16xf32>,
          %swap3A_189 = vector.shape_cast %swap3A_188 : vector<1x16xf32> to vector<1x16xf32>
          %swap3A_190 = vector.shape_cast %add3A_185 : vector<1x16xf32> to vector<1x16xf32>
          tpu.vector_store %arg8[%swap3A_186, %swap3A_187], %swap3A_190 {strides = array<i32>} : memref<80x256xf32, #tpu.memory_space<vmem>>, vector<1x16xf32>,
          %get3A_191 = arith.index_cast %add3A_38 : i32 to index
          %get3A_192 = arith.constant 176 : index
          %get3A_193 = tpu.vector_load %arg8[%get3A_191, %get3A_192] {strides = array<i32>} : memref<80x256xf32, #tpu.memory_space<vmem>>, vector<1x16xf32>,
          %get3A_194 = vector.shape_cast %get3A_193 : vector<1x16xf32> to vector<1x16xf32>
          %get3A_195 = arith.index_cast %add3A_38 : i32 to index
          %get3A_196 = arith.constant 176 : index
          %get3A_197 = tpu.vector_load %arg7[%get3A_195, %get3A_196] {strides = array<i32>} : memref<80x256xf32, #tpu.memory_space<vmem>>, vector<1x16xf32>,
          %get3A_198 = vector.shape_cast %get3A_197 : vector<1x16xf32> to vector<1x16xf32>
          %add3A_199 = arith.addf %get3A_194, %get3A_198 : vector<1x16xf32>
          %swap3A_200 = arith.index_cast %add3A_38 : i32 to index
          %swap3A_201 = arith.constant 176 : index
          %swap3A_202 = tpu.vector_load %arg8[%swap3A_200, %swap3A_201] {strides = array<i32>} : memref<80x256xf32, #tpu.memory_space<vmem>>, vector<1x16xf32>,
          %swap3A_203 = vector.shape_cast %swap3A_202 : vector<1x16xf32> to vector<1x16xf32>
          %swap3A_204 = vector.shape_cast %add3A_199 : vector<1x16xf32> to vector<1x16xf32>
          tpu.vector_store %arg8[%swap3A_200, %swap3A_201], %swap3A_204 {strides = array<i32>} : memref<80x256xf32, #tpu.memory_space<vmem>>, vector<1x16xf32>,
          %get3A_205 = arith.index_cast %add3A_38 : i32 to index
          %get3A_206 = arith.constant 192 : index
          %get3A_207 = tpu.vector_load %arg8[%get3A_205, %get3A_206] {strides = array<i32>} : memref<80x256xf32, #tpu.memory_space<vmem>>, vector<1x16xf32>,
          %get3A_208 = vector.shape_cast %get3A_207 : vector<1x16xf32> to vector<1x16xf32>
          %get3A_209 = arith.index_cast %add3A_38 : i32 to index
          %get3A_210 = arith.constant 192 : index
          %get3A_211 = tpu.vector_load %arg7[%get3A_209, %get3A_210] {strides = array<i32>} : memref<80x256xf32, #tpu.memory_space<vmem>>, vector<1x16xf32>,
          %get3A_212 = vector.shape_cast %get3A_211 : vector<1x16xf32> to vector<1x16xf32>
          %add3A_213 = arith.addf %get3A_208, %get3A_212 : vector<1x16xf32>
          %swap3A_214 = arith.index_cast %add3A_38 : i32 to index
          %swap3A_215 = arith.constant 192 : index
          %swap3A_216 = tpu.vector_load %arg8[%swap3A_214, %swap3A_215] {strides = array<i32>} : memref<80x256xf32, #tpu.memory_space<vmem>>, vector<1x16xf32>,
          %swap3A_217 = vector.shape_cast %swap3A_216 : vector<1x16xf32> to vector<1x16xf32>
          %swap3A_218 = vector.shape_cast %add3A_213 : vector<1x16xf32> to vector<1x16xf32>
          tpu.vector_store %arg8[%swap3A_214, %swap3A_215], %swap3A_218 {strides = array<i32>} : memref<80x256xf32, #tpu.memory_space<vmem>>, vector<1x16xf32>,
          %get3A_219 = arith.index_cast %add3A_38 : i32 to index
          %get3A_220 = arith.constant 208 : index
          %get3A_221 = tpu.vector_load %arg8[%get3A_219, %get3A_220] {strides = array<i32>} : memref<80x256xf32, #tpu.memory_space<vmem>>, vector<1x16xf32>,
          %get3A_222 = vector.shape_cast %get3A_221 : vector<1x16xf32> to vector<1x16xf32>
          %get3A_223 = arith.index_cast %add3A_38 : i32 to index
          %get3A_224 = arith.constant 208 : index
          %get3A_225 = tpu.vector_load %arg7[%get3A_223, %get3A_224] {strides = array<i32>} : memref<80x256xf32, #tpu.memory_space<vmem>>, vector<1x16xf32>,
          %get3A_226 = vector.shape_cast %get3A_225 : vector<1x16xf32> to vector<1x16xf32>
          %add3A_227 = arith.addf %get3A_222, %get3A_226 : vector<1x16xf32>
          %swap3A_228 = arith.index_cast %add3A_38 : i32 to index
          %swap3A_229 = arith.constant 208 : index
          %swap3A_230 = tpu.vector_load %arg8[%swap3A_228, %swap3A_229] {strides = array<i32>} : memref<80x256xf32, #tpu.memory_space<vmem>>, vector<1x16xf32>,
          %swap3A_231 = vector.shape_cast %swap3A_230 : vector<1x16xf32> to vector<1x16xf32>
          %swap3A_232 = vector.shape_cast %add3A_227 : vector<1x16xf32> to vector<1x16xf32>
          tpu.vector_store %arg8[%swap3A_228, %swap3A_229], %swap3A_232 {strides = array<i32>} : memref<80x256xf32, #tpu.memory_space<vmem>>, vector<1x16xf32>,
          %get3A_233 = arith.index_cast %add3A_38 : i32 to index
          %get3A_234 = arith.constant 224 : index
          %get3A_235 = tpu.vector_load %arg8[%get3A_233, %get3A_234] {strides = array<i32>} : memref<80x256xf32, #tpu.memory_space<vmem>>, vector<1x16xf32>,
          %get3A_236 = vector.shape_cast %get3A_235 : vector<1x16xf32> to vector<1x16xf32>
          %get3A_237 = arith.index_cast %add3A_38 : i32 to index
          %get3A_238 = arith.constant 224 : index
          %get3A_239 = tpu.vector_load %arg7[%get3A_237, %get3A_238] {strides = array<i32>} : memref<80x256xf32, #tpu.memory_space<vmem>>, vector<1x16xf32>,
          %get3A_240 = vector.shape_cast %get3A_239 : vector<1x16xf32> to vector<1x16xf32>
          %add3A_241 = arith.addf %get3A_236, %get3A_240 : vector<1x16xf32>
          %swap3A_242 = arith.index_cast %add3A_38 : i32 to index
          %swap3A_243 = arith.constant 224 : index
          %swap3A_244 = tpu.vector_load %arg8[%swap3A_242, %swap3A_243] {strides = array<i32>} : memref<80x256xf32, #tpu.memory_space<vmem>>, vector<1x16xf32>,
          %swap3A_245 = vector.shape_cast %swap3A_244 : vector<1x16xf32> to vector<1x16xf32>
          %swap3A_246 = vector.shape_cast %add3A_241 : vector<1x16xf32> to vector<1x16xf32>
          tpu.vector_store %arg8[%swap3A_242, %swap3A_243], %swap3A_246 {strides = array<i32>} : memref<80x256xf32, #tpu.memory_space<vmem>>, vector<1x16xf32>,
          %get3A_247 = arith.index_cast %add3A_38 : i32 to index
          %get3A_248 = arith.constant 240 : index
          %get3A_249 = tpu.vector_load %arg8[%get3A_247, %get3A_248] {strides = array<i32>} : memref<80x256xf32, #tpu.memory_space<vmem>>, vector<1x16xf32>,
          %get3A_250 = vector.shape_cast %get3A_249 : vector<1x16xf32> to vector<1x16xf32>
          %get3A_251 = arith.index_cast %add3A_38 : i32 to index
          %get3A_252 = arith.constant 240 : index
          %get3A_253 = tpu.vector_load %arg7[%get3A_251, %get3A_252] {strides = array<i32>} : memref<80x256xf32, #tpu.memory_space<vmem>>, vector<1x16xf32>,
          %get3A_254 = vector.shape_cast %get3A_253 : vector<1x16xf32> to vector<1x16xf32>
          %add3A_255 = arith.addf %get3A_250, %get3A_254 : vector<1x16xf32>
          %swap3A_256 = arith.index_cast %add3A_38 : i32 to index
          %swap3A_257 = arith.constant 240 : index
          %swap3A_258 = tpu.vector_load %arg8[%swap3A_256, %swap3A_257] {strides = array<i32>} : memref<80x256xf32, #tpu.memory_space<vmem>>, vector<1x16xf32>,
          %swap3A_259 = vector.shape_cast %swap3A_258 : vector<1x16xf32> to vector<1x16xf32>
          %swap3A_260 = vector.shape_cast %add3A_255 : vector<1x16xf32> to vector<1x16xf32>
          tpu.vector_store %arg8[%swap3A_256, %swap3A_257], %swap3A_260 {strides = array<i32>} : memref<80x256xf32, #tpu.memory_space<vmem>>, vector<1x16xf32>,
          %scan3A_261 = arith.constant 1 : i32
          %scan3A_262 = arith.addi %scan3A_34, %scan3A_261 : i32
          %mul3A_263 = arith.constant 1 : i32
          %mul3A_264 = arith.muli %scan3A_262, %mul3A_263 : i32
          %add3A_265 = arith.constant 0 : i32
          %add3A_266 = arith.addi %add3A_265, %mul3A_264 : i32
          %get3A_267 = arith.index_cast %add3A_266 : i32 to index
          %get3A_268 = arith.constant 0 : index
          %get3A_269 = tpu.vector_load %arg8[%get3A_267, %get3A_268] {strides = array<i32>} : memref<80x256xf32, #tpu.memory_space<vmem>>, vector<1x16xf32>,
          %get3A_270 = vector.shape_cast %get3A_269 : vector<1x16xf32> to vector<1x16xf32>
          %get3A_271 = arith.index_cast %add3A_266 : i32 to index
          %get3A_272 = arith.constant 0 : index
          %get3A_273 = tpu.vector_load %arg7[%get3A_271, %get3A_272] {strides = array<i32>} : memref<80x256xf32, #tpu.memory_space<vmem>>, vector<1x16xf32>,
          %get3A_274 = vector.shape_cast %get3A_273 : vector<1x16xf32> to vector<1x16xf32>
          %add3A_275 = arith.addf %get3A_270, %get3A_274 : vector<1x16xf32>
          %swap3A_276 = arith.index_cast %add3A_266 : i32 to index
          %swap3A_277 = arith.constant 0 : index
          %swap3A_278 = tpu.vector_load %arg8[%swap3A_276, %swap3A_277] {strides = array<i32>} : memref<80x256xf32, #tpu.memory_space<vmem>>, vector<1x16xf32>,
          %swap3A_279 = vector.shape_cast %swap3A_278 : vector<1x16xf32> to vector<1x16xf32>
          %swap3A_280 = vector.shape_cast %add3A_275 : vector<1x16xf32> to vector<1x16xf32>
          tpu.vector_store %arg8[%swap3A_276, %swap3A_277], %swap3A_280 {strides = array<i32>} : memref<80x256xf32, #tpu.memory_space<vmem>>, vector<1x16xf32>,
          %get3A_281 = arith.index_cast %add3A_266 : i32 to index
          %get3A_282 = arith.constant 16 : index
          %get3A_283 = tpu.vector_load %arg8[%get3A_281, %get3A_282] {strides = array<i32>} : memref<80x256xf32, #tpu.memory_space<vmem>>, vector<1x16xf32>,
          %get3A_284 = vector.shape_cast %get3A_283 : vector<1x16xf32> to vector<1x16xf32>
          %get3A_285 = arith.index_cast %add3A_266 : i32 to index
          %get3A_286 = arith.constant 16 : index
          %get3A_287 = tpu.vector_load %arg7[%get3A_285, %get3A_286] {strides = array<i32>} : memref<80x256xf32, #tpu.memory_space<vmem>>, vector<1x16xf32>,
          %get3A_288 = vector.shape_cast %get3A_287 : vector<1x16xf32> to vector<1x16xf32>
          %add3A_289 = arith.addf %get3A_284, %get3A_288 : vector<1x16xf32>
          %swap3A_290 = arith.index_cast %add3A_266 : i32 to index
          %swap3A_291 = arith.constant 16 : index
          %swap3A_292 = tpu.vector_load %arg8[%swap3A_290, %swap3A_291] {strides = array<i32>} : memref<80x256xf32, #tpu.memory_space<vmem>>, vector<1x16xf32>,
          %swap3A_293 = vector.shape_cast %swap3A_292 : vector<1x16xf32> to vector<1x16xf32>
          %swap3A_294 = vector.shape_cast %add3A_289 : vector<1x16xf32> to vector<1x16xf32>
          tpu.vector_store %arg8[%swap3A_290, %swap3A_291], %swap3A_294 {strides = array<i32>} : memref<80x256xf32, #tpu.memory_space<vmem>>, vector<1x16xf32>,
          %get3A_295 = arith.index_cast %add3A_266 : i32 to index
          %get3A_296 = arith.constant 32 : index
          %get3A_297 = tpu.vector_load %arg8[%get3A_295, %get3A_296] {strides = array<i32>} : memref<80x256xf32, #tpu.memory_space<vmem>>, vector<1x16xf32>,
          %get3A_298 = vector.shape_cast %get3A_297 : vector<1x16xf32> to vector<1x16xf32>
          %get3A_299 = arith.index_cast %add3A_266 : i32 to index
          %get3A_300 = arith.constant 32 : index
          %get3A_301 = tpu.vector_load %arg7[%get3A_299, %get3A_300] {strides = array<i32>} : memref<80x256xf32, #tpu.memory_space<vmem>>, vector<1x16xf32>,
          %get3A_302 = vector.shape_cast %get3A_301 : vector<1x16xf32> to vector<1x16xf32>
          %add3A_303 = arith.addf %get3A_298, %get3A_302 : vector<1x16xf32>
          %swap3A_304 = arith.index_cast %add3A_266 : i32 to index
          %swap3A_305 = arith.constant 32 : index
          %swap3A_306 = tpu.vector_load %arg8[%swap3A_304, %swap3A_305] {strides = array<i32>} : memref<80x256xf32, #tpu.memory_space<vmem>>, vector<1x16xf32>,
          %swap3A_307 = vector.shape_cast %swap3A_306 : vector<1x16xf32> to vector<1x16xf32>
          %swap3A_308 = vector.shape_cast %add3A_303 : vector<1x16xf32> to vector<1x16xf32>
          tpu.vector_store %arg8[%swap3A_304, %swap3A_305], %swap3A_308 {strides = array<i32>} : memref<80x256xf32, #tpu.memory_space<vmem>>, vector<1x16xf32>,
          %get3A_309 = arith.index_cast %add3A_266 : i32 to index
          %get3A_310 = arith.constant 48 : index
          %get3A_311 = tpu.vector_load %arg8[%get3A_309, %get3A_310] {strides = array<i32>} : memref<80x256xf32, #tpu.memory_space<vmem>>, vector<1x16xf32>,
          %get3A_312 = vector.shape_cast %get3A_311 : vector<1x16xf32> to vector<1x16xf32>
          %get3A_313 = arith.index_cast %add3A_266 : i32 to index
          %get3A_314 = arith.constant 48 : index
          %get3A_315 = tpu.vector_load %arg7[%get3A_313, %get3A_314] {strides = array<i32>} : memref<80x256xf32, #tpu.memory_space<vmem>>, vector<1x16xf32>,
          %get3A_316 = vector.shape_cast %get3A_315 : vector<1x16xf32> to vector<1x16xf32>
          %add3A_317 = arith.addf %get3A_312, %get3A_316 : vector<1x16xf32>
          %swap3A_318 = arith.index_cast %add3A_266 : i32 to index
          %swap3A_319 = arith.constant 48 : index
          %swap3A_320 = tpu.vector_load %arg8[%swap3A_318, %swap3A_319] {strides = array<i32>} : memref<80x256xf32, #tpu.memory_space<vmem>>, vector<1x16xf32>,
          %swap3A_321 = vector.shape_cast %swap3A_320 : vector<1x16xf32> to vector<1x16xf32>
          %swap3A_322 = vector.shape_cast %add3A_317 : vector<1x16xf32> to vector<1x16xf32>
          tpu.vector_store %arg8[%swap3A_318, %swap3A_319], %swap3A_322 {strides = array<i32>} : memref<80x256xf32, #tpu.memory_space<vmem>>, vector<1x16xf32>,
          %get3A_323 = arith.index_cast %add3A_266 : i32 to index
          %get3A_324 = arith.constant 64 : index
          %get3A_325 = tpu.vector_load %arg8[%get3A_323, %get3A_324] {strides = array<i32>} : memref<80x256xf32, #tpu.memory_space<vmem>>, vector<1x16xf32>,
          %get3A_326 = vector.shape_cast %get3A_325 : vector<1x16xf32> to vector<1x16xf32>
          %get3A_327 = arith.index_cast %add3A_266 : i32 to index
          %get3A_328 = arith.constant 64 : index
          %get3A_329 = tpu.vector_load %arg7[%get3A_327, %get3A_328] {strides = array<i32>} : memref<80x256xf32, #tpu.memory_space<vmem>>, vector<1x16xf32>,
          %get3A_330 = vector.shape_cast %get3A_329 : vector<1x16xf32> to vector<1x16xf32>
          %add3A_331 = arith.addf %get3A_326, %get3A_330 : vector<1x16xf32>
          %swap3A_332 = arith.index_cast %add3A_266 : i32 to index
          %swap3A_333 = arith.constant 64 : index
          %swap3A_334 = tpu.vector_load %arg8[%swap3A_332, %swap3A_333] {strides = array<i32>} : memref<80x256xf32, #tpu.memory_space<vmem>>, vector<1x16xf32>,
          %swap3A_335 = vector.shape_cast %swap3A_334 : vector<1x16xf32> to vector<1x16xf32>
          %swap3A_336 = vector.shape_cast %add3A_331 : vector<1x16xf32> to vector<1x16xf32>
          tpu.vector_store %arg8[%swap3A_332, %swap3A_333], %swap3A_336 {strides = array<i32>} : memref<80x256xf32, #tpu.memory_space<vmem>>, vector<1x16xf32>,
          %get3A_337 = arith.index_cast %add3A_266 : i32 to index
          %get3A_338 = arith.constant 80 : index
          %get3A_339 = tpu.vector_load %arg8[%get3A_337, %get3A_338] {strides = array<i32>} : memref<80x256xf32, #tpu.memory_space<vmem>>, vector<1x16xf32>,
          %get3A_340 = vector.shape_cast %get3A_339 : vector<1x16xf32> to vector<1x16xf32>
          %get3A_341 = arith.index_cast %add3A_266 : i32 to index
          %get3A_342 = arith.constant 80 : index
          %get3A_343 = tpu.vector_load %arg7[%get3A_341, %get3A_342] {strides = array<i32>} : memref<80x256xf32, #tpu.memory_space<vmem>>, vector<1x16xf32>,
          %get3A_344 = vector.shape_cast %get3A_343 : vector<1x16xf32> to vector<1x16xf32>
          %add3A_345 = arith.addf %get3A_340, %get3A_344 : vector<1x16xf32>
          %swap3A_346 = arith.index_cast %add3A_266 : i32 to index
          %swap3A_347 = arith.constant 80 : index
          %swap3A_348 = tpu.vector_load %arg8[%swap3A_346, %swap3A_347] {strides = array<i32>} : memref<80x256xf32, #tpu.memory_space<vmem>>, vector<1x16xf32>,
          %swap3A_349 = vector.shape_cast %swap3A_348 : vector<1x16xf32> to vector<1x16xf32>
          %swap3A_350 = vector.shape_cast %add3A_345 : vector<1x16xf32> to vector<1x16xf32>
          tpu.vector_store %arg8[%swap3A_346, %swap3A_347], %swap3A_350 {strides = array<i32>} : memref<80x256xf32, #tpu.memory_space<vmem>>, vector<1x16xf32>,
          %get3A_351 = arith.index_cast %add3A_266 : i32 to index
          %get3A_352 = arith.constant 96 : index
          %get3A_353 = tpu.vector_load %arg8[%get3A_351, %get3A_352] {strides = array<i32>} : memref<80x256xf32, #tpu.memory_space<vmem>>, vector<1x16xf32>,
          %get3A_354 = vector.shape_cast %get3A_353 : vector<1x16xf32> to vector<1x16xf32>
          %get3A_355 = arith.index_cast %add3A_266 : i32 to index
          %get3A_356 = arith.constant 96 : index
          %get3A_357 = tpu.vector_load %arg7[%get3A_355, %get3A_356] {strides = array<i32>} : memref<80x256xf32, #tpu.memory_space<vmem>>, vector<1x16xf32>,
          %get3A_358 = vector.shape_cast %get3A_357 : vector<1x16xf32> to vector<1x16xf32>
          %add3A_359 = arith.addf %get3A_354, %get3A_358 : vector<1x16xf32>
          %swap3A_360 = arith.index_cast %add3A_266 : i32 to index
          %swap3A_361 = arith.constant 96 : index
          %swap3A_362 = tpu.vector_load %arg8[%swap3A_360, %swap3A_361] {strides = array<i32>} : memref<80x256xf32, #tpu.memory_space<vmem>>, vector<1x16xf32>,
          %swap3A_363 = vector.shape_cast %swap3A_362 : vector<1x16xf32> to vector<1x16xf32>
          %swap3A_364 = vector.shape_cast %add3A_359 : vector<1x16xf32> to vector<1x16xf32>
          tpu.vector_store %arg8[%swap3A_360, %swap3A_361], %swap3A_364 {strides = array<i32>} : memref<80x256xf32, #tpu.memory_space<vmem>>, vector<1x16xf32>,
          %get3A_365 = arith.index_cast %add3A_266 : i32 to index
          %get3A_366 = arith.constant 112 : index
          %get3A_367 = tpu.vector_load %arg8[%get3A_365, %get3A_366] {strides = array<i32>} : memref<80x256xf32, #tpu.memory_space<vmem>>, vector<1x16xf32>,
          %get3A_368 = vector.shape_cast %get3A_367 : vector<1x16xf32> to vector<1x16xf32>
          %get3A_369 = arith.index_cast %add3A_266 : i32 to index
          %get3A_370 = arith.constant 112 : index
          %get3A_371 = tpu.vector_load %arg7[%get3A_369, %get3A_370] {strides = array<i32>} : memref<80x256xf32, #tpu.memory_space<vmem>>, vector<1x16xf32>,
          %get3A_372 = vector.shape_cast %get3A_371 : vector<1x16xf32> to vector<1x16xf32>
          %add3A_373 = arith.addf %get3A_368, %get3A_372 : vector<1x16xf32>
          %swap3A_374 = arith.index_cast %add3A_266 : i32 to index
          %swap3A_375 = arith.constant 112 : index
          %swap3A_376 = tpu.vector_load %arg8[%swap3A_374, %swap3A_375] {strides = array<i32>} : memref<80x256xf32, #tpu.memory_space<vmem>>, vector<1x16xf32>,
          %swap3A_377 = vector.shape_cast %swap3A_376 : vector<1x16xf32> to vector<1x16xf32>
          %swap3A_378 = vector.shape_cast %add3A_373 : vector<1x16xf32> to vector<1x16xf32>
          tpu.vector_store %arg8[%swap3A_374, %swap3A_375], %swap3A_378 {strides = array<i32>} : memref<80x256xf32, #tpu.memory_space<vmem>>, vector<1x16xf32>,
          %get3A_379 = arith.index_cast %add3A_266 : i32 to index
          %get3A_380 = arith.constant 128 : index
          %get3A_381 = tpu.vector_load %arg8[%get3A_379, %get3A_380] {strides = array<i32>} : memref<80x256xf32, #tpu.memory_space<vmem>>, vector<1x16xf32>,
          %get3A_382 = vector.shape_cast %get3A_381 : vector<1x16xf32> to vector<1x16xf32>
          %get3A_383 = arith.index_cast %add3A_266 : i32 to index
          %get3A_384 = arith.constant 128 : index
          %get3A_385 = tpu.vector_load %arg7[%get3A_383, %get3A_384] {strides = array<i32>} : memref<80x256xf32, #tpu.memory_space<vmem>>, vector<1x16xf32>,
          %get3A_386 = vector.shape_cast %get3A_385 : vector<1x16xf32> to vector<1x16xf32>
          %add3A_387 = arith.addf %get3A_382, %get3A_386 : vector<1x16xf32>
          %swap3A_388 = arith.index_cast %add3A_266 : i32 to index
          %swap3A_389 = arith.constant 128 : index
          %swap3A_390 = tpu.vector_load %arg8[%swap3A_388, %swap3A_389] {strides = array<i32>} : memref<80x256xf32, #tpu.memory_space<vmem>>, vector<1x16xf32>,
          %swap3A_391 = vector.shape_cast %swap3A_390 : vector<1x16xf32> to vector<1x16xf32>
          %swap3A_392 = vector.shape_cast %add3A_387 : vector<1x16xf32> to vector<1x16xf32>
          tpu.vector_store %arg8[%swap3A_388, %swap3A_389], %swap3A_392 {strides = array<i32>} : memref<80x256xf32, #tpu.memory_space<vmem>>, vector<1x16xf32>,
          %get3A_393 = arith.index_cast %add3A_266 : i32 to index
          %get3A_394 = arith.constant 144 : index
          %get3A_395 = tpu.vector_load %arg8[%get3A_393, %get3A_394] {strides = array<i32>} : memref<80x256xf32, #tpu.memory_space<vmem>>, vector<1x16xf32>,
          %get3A_396 = vector.shape_cast %get3A_395 : vector<1x16xf32> to vector<1x16xf32>
          %get3A_397 = arith.index_cast %add3A_266 : i32 to index
          %get3A_398 = arith.constant 144 : index
          %get3A_399 = tpu.vector_load %arg7[%get3A_397, %get3A_398] {strides = array<i32>} : memref<80x256xf32, #tpu.memory_space<vmem>>, vector<1x16xf32>,
          %get3A_400 = vector.shape_cast %get3A_399 : vector<1x16xf32> to vector<1x16xf32>
          %add3A_401 = arith.addf %get3A_396, %get3A_400 : vector<1x16xf32>
          %swap3A_402 = arith.index_cast %add3A_266 : i32 to index
          %swap3A_403 = arith.constant 144 : index
          %swap3A_404 = tpu.vector_load %arg8[%swap3A_402, %swap3A_403] {strides = array<i32>} : memref<80x256xf32, #tpu.memory_space<vmem>>, vector<1x16xf32>,
          %swap3A_405 = vector.shape_cast %swap3A_404 : vector<1x16xf32> to vector<1x16xf32>
          %swap3A_406 = vector.shape_cast %add3A_401 : vector<1x16xf32> to vector<1x16xf32>
          tpu.vector_store %arg8[%swap3A_402, %swap3A_403], %swap3A_406 {strides = array<i32>} : memref<80x256xf32, #tpu.memory_space<vmem>>, vector<1x16xf32>,
          %get3A_407 = arith.index_cast %add3A_266 : i32 to index
          %get3A_408 = arith.constant 160 : index
          %get3A_409 = tpu.vector_load %arg8[%get3A_407, %get3A_408] {strides = array<i32>} : memref<80x256xf32, #tpu.memory_space<vmem>>, vector<1x16xf32>,
          %get3A_410 = vector.shape_cast %get3A_409 : vector<1x16xf32> to vector<1x16xf32>
          %get3A_411 = arith.index_cast %add3A_266 : i32 to index
          %get3A_412 = arith.constant 160 : index
          %get3A_413 = tpu.vector_load %arg7[%get3A_411, %get3A_412] {strides = array<i32>} : memref<80x256xf32, #tpu.memory_space<vmem>>, vector<1x16xf32>,
          %get3A_414 = vector.shape_cast %get3A_413 : vector<1x16xf32> to vector<1x16xf32>
          %add3A_415 = arith.addf %get3A_410, %get3A_414 : vector<1x16xf32>
          %swap3A_416 = arith.index_cast %add3A_266 : i32 to index
          %swap3A_417 = arith.constant 160 : index
          %swap3A_418 = tpu.vector_load %arg8[%swap3A_416, %swap3A_417] {strides = array<i32>} : memref<80x256xf32, #tpu.memory_space<vmem>>, vector<1x16xf32>,
          %swap3A_419 = vector.shape_cast %swap3A_418 : vector<1x16xf32> to vector<1x16xf32>
          %swap3A_420 = vector.shape_cast %add3A_415 : vector<1x16xf32> to vector<1x16xf32>
          tpu.vector_store %arg8[%swap3A_416, %swap3A_417], %swap3A_420 {strides = array<i32>} : memref<80x256xf32, #tpu.memory_space<vmem>>, vector<1x16xf32>,
          %get3A_421 = arith.index_cast %add3A_266 : i32 to index
          %get3A_422 = arith.constant 176 : index
          %get3A_423 = tpu.vector_load %arg8[%get3A_421, %get3A_422] {strides = array<i32>} : memref<80x256xf32, #tpu.memory_space<vmem>>, vector<1x16xf32>,
          %get3A_424 = vector.shape_cast %get3A_423 : vector<1x16xf32> to vector<1x16xf32>
          %get3A_425 = arith.index_cast %add3A_266 : i32 to index
          %get3A_426 = arith.constant 176 : index
          %get3A_427 = tpu.vector_load %arg7[%get3A_425, %get3A_426] {strides = array<i32>} : memref<80x256xf32, #tpu.memory_space<vmem>>, vector<1x16xf32>,
          %get3A_428 = vector.shape_cast %get3A_427 : vector<1x16xf32> to vector<1x16xf32>
          %add3A_429 = arith.addf %get3A_424, %get3A_428 : vector<1x16xf32>
          %swap3A_430 = arith.index_cast %add3A_266 : i32 to index
          %swap3A_431 = arith.constant 176 : index
          %swap3A_432 = tpu.vector_load %arg8[%swap3A_430, %swap3A_431] {strides = array<i32>} : memref<80x256xf32, #tpu.memory_space<vmem>>, vector<1x16xf32>,
          %swap3A_433 = vector.shape_cast %swap3A_432 : vector<1x16xf32> to vector<1x16xf32>
          %swap3A_434 = vector.shape_cast %add3A_429 : vector<1x16xf32> to vector<1x16xf32>
          tpu.vector_store %arg8[%swap3A_430, %swap3A_431], %swap3A_434 {strides = array<i32>} : memref<80x256xf32, #tpu.memory_space<vmem>>, vector<1x16xf32>,
          %get3A_435 = arith.index_cast %add3A_266 : i32 to index
          %get3A_436 = arith.constant 192 : index
          %get3A_437 = tpu.vector_load %arg8[%get3A_435, %get3A_436] {strides = array<i32>} : memref<80x256xf32, #tpu.memory_space<vmem>>, vector<1x16xf32>,
          %get3A_438 = vector.shape_cast %get3A_437 : vector<1x16xf32> to vector<1x16xf32>
          %get3A_439 = arith.index_cast %add3A_266 : i32 to index
          %get3A_440 = arith.constant 192 : index
          %get3A_441 = tpu.vector_load %arg7[%get3A_439, %get3A_440] {strides = array<i32>} : memref<80x256xf32, #tpu.memory_space<vmem>>, vector<1x16xf32>,
          %get3A_442 = vector.shape_cast %get3A_441 : vector<1x16xf32> to vector<1x16xf32>
          %add3A_443 = arith.addf %get3A_438, %get3A_442 : vector<1x16xf32>
          %swap3A_444 = arith.index_cast %add3A_266 : i32 to index
          %swap3A_445 = arith.constant 192 : index
          %swap3A_446 = tpu.vector_load %arg8[%swap3A_444, %swap3A_445] {strides = array<i32>} : memref<80x256xf32, #tpu.memory_space<vmem>>, vector<1x16xf32>,
          %swap3A_447 = vector.shape_cast %swap3A_446 : vector<1x16xf32> to vector<1x16xf32>
          %swap3A_448 = vector.shape_cast %add3A_443 : vector<1x16xf32> to vector<1x16xf32>
          tpu.vector_store %arg8[%swap3A_444, %swap3A_445], %swap3A_448 {strides = array<i32>} : memref<80x256xf32, #tpu.memory_space<vmem>>, vector<1x16xf32>,
          %get3A_449 = arith.index_cast %add3A_266 : i32 to index
          %get3A_450 = arith.constant 208 : index
          %get3A_451 = tpu.vector_load %arg8[%get3A_449, %get3A_450] {strides = array<i32>} : memref<80x256xf32, #tpu.memory_space<vmem>>, vector<1x16xf32>,
          %get3A_452 = vector.shape_cast %get3A_451 : vector<1x16xf32> to vector<1x16xf32>
          %get3A_453 = arith.index_cast %add3A_266 : i32 to index
          %get3A_454 = arith.constant 208 : index
          %get3A_455 = tpu.vector_load %arg7[%get3A_453, %get3A_454] {strides = array<i32>} : memref<80x256xf32, #tpu.memory_space<vmem>>, vector<1x16xf32>,
          %get3A_456 = vector.shape_cast %get3A_455 : vector<1x16xf32> to vector<1x16xf32>
          %add3A_457 = arith.addf %get3A_452, %get3A_456 : vector<1x16xf32>
          %swap3A_458 = arith.index_cast %add3A_266 : i32 to index
          %swap3A_459 = arith.constant 208 : index
          %swap3A_460 = tpu.vector_load %arg8[%swap3A_458, %swap3A_459] {strides = array<i32>} : memref<80x256xf32, #tpu.memory_space<vmem>>, vector<1x16xf32>,
          %swap3A_461 = vector.shape_cast %swap3A_460 : vector<1x16xf32> to vector<1x16xf32>
          %swap3A_462 = vector.shape_cast %add3A_457 : vector<1x16xf32> to vector<1x16xf32>
          tpu.vector_store %arg8[%swap3A_458, %swap3A_459], %swap3A_462 {strides = array<i32>} : memref<80x256xf32, #tpu.memory_space<vmem>>, vector<1x16xf32>,
          %get3A_463 = arith.index_cast %add3A_266 : i32 to index
          %get3A_464 = arith.constant 224 : index
          %get3A_465 = tpu.vector_load %arg8[%get3A_463, %get3A_464] {strides = array<i32>} : memref<80x256xf32, #tpu.memory_space<vmem>>, vector<1x16xf32>,
          %get3A_466 = vector.shape_cast %get3A_465 : vector<1x16xf32> to vector<1x16xf32>
          %get3A_467 = arith.index_cast %add3A_266 : i32 to index
          %get3A_468 = arith.constant 224 : index
          %get3A_469 = tpu.vector_load %arg7[%get3A_467, %get3A_468] {strides = array<i32>} : memref<80x256xf32, #tpu.memory_space<vmem>>, vector<1x16xf32>,
          %get3A_470 = vector.shape_cast %get3A_469 : vector<1x16xf32> to vector<1x16xf32>
          %add3A_471 = arith.addf %get3A_466, %get3A_470 : vector<1x16xf32>
          %swap3A_472 = arith.index_cast %add3A_266 : i32 to index
          %swap3A_473 = arith.constant 224 : index
          %swap3A_474 = tpu.vector_load %arg8[%swap3A_472, %swap3A_473] {strides = array<i32>} : memref<80x256xf32, #tpu.memory_space<vmem>>, vector<1x16xf32>,
          %swap3A_475 = vector.shape_cast %swap3A_474 : vector<1x16xf32> to vector<1x16xf32>
          %swap3A_476 = vector.shape_cast %add3A_471 : vector<1x16xf32> to vector<1x16xf32>
          tpu.vector_store %arg8[%swap3A_472, %swap3A_473], %swap3A_476 {strides = array<i32>} : memref<80x256xf32, #tpu.memory_space<vmem>>, vector<1x16xf32>,
          %get3A_477 = arith.index_cast %add3A_266 : i32 to index
          %get3A_478 = arith.constant 240 : index
          %get3A_479 = tpu.vector_load %arg8[%get3A_477, %get3A_478] {strides = array<i32>} : memref<80x256xf32, #tpu.memory_space<vmem>>, vector<1x16xf32>,
          %get3A_480 = vector.shape_cast %get3A_479 : vector<1x16xf32> to vector<1x16xf32>
          %get3A_481 = arith.index_cast %add3A_266 : i32 to index
          %get3A_482 = arith.constant 240 : index
          %get3A_483 = tpu.vector_load %arg7[%get3A_481, %get3A_482] {strides = array<i32>} : memref<80x256xf32, #tpu.memory_space<vmem>>, vector<1x16xf32>,
          %get3A_484 = vector.shape_cast %get3A_483 : vector<1x16xf32> to vector<1x16xf32>
          %add3A_485 = arith.addf %get3A_480, %get3A_484 : vector<1x16xf32>
          %swap3A_486 = arith.index_cast %add3A_266 : i32 to index
          %swap3A_487 = arith.constant 240 : index
          %swap3A_488 = tpu.vector_load %arg8[%swap3A_486, %swap3A_487] {strides = array<i32>} : memref<80x256xf32, #tpu.memory_space<vmem>>, vector<1x16xf32>,
          %swap3A_489 = vector.shape_cast %swap3A_488 : vector<1x16xf32> to vector<1x16xf32>
          %swap3A_490 = vector.shape_cast %add3A_485 : vector<1x16xf32> to vector<1x16xf32>
          tpu.vector_store %arg8[%swap3A_486, %swap3A_487], %swap3A_490 {strides = array<i32>} : memref<80x256xf32, #tpu.memory_space<vmem>>, vector<1x16xf32>,
        }
        %scan3A_33 = arith.constant 80 : i32
        "tpu.region"() ({
          %run_scoped3A = tpu.sem_alloc : memref<!tpu.dma_semaphore, #tpu.memory_space<semaphore_mem>>
          %dma_start3A_34 = arith.constant 0 : i32
          %dma_start3A_35 = tpu.memref_slice %arg5[%mul3A_16, %dma_start3A_34] : memref<10000x256xf32, #tpu.memory_space<hbm>> -> memref<80x256xf32, #tpu.memory_space<hbm>>
          %dma_start3A_36 = arith.constant 0 : i32
          %dma_start3A_37 = tpu.memref_slice %arg5[%mul3A_16, %dma_start3A_36] : memref<10000x256xf32, #tpu.memory_space<hbm>> -> memref<80x256xf32, #tpu.memory_space<hbm>>
          tpu.enqueue_dma source(%arg8 : memref<80x256xf32, #tpu.memory_space<vmem>>) target(%dma_start3A_37 : memref<80x256xf32, #tpu.memory_space<hbm>>) target_semaphore(%run_scoped3A : memref<!tpu.dma_semaphore, #tpu.memory_space<semaphore_mem>>)
          %dma_wait3A_38 = arith.constant 0 : i32
          %dma_wait3A_39 = tpu.memref_slice %arg5[%mul3A_16, %dma_wait3A_38] : memref<10000x256xf32, #tpu.memory_space<hbm>> -> memref<80x256xf32, #tpu.memory_space<hbm>>
          %dma_wait3A_40 = arith.constant 0 : i32
          %dma_wait3A_41 = tpu.memref_slice %arg5[%mul3A_16, %dma_wait3A_40] : memref<10000x256xf32, #tpu.memory_space<hbm>> -> memref<80x256xf32, #tpu.memory_space<hbm>>
          tpu.wait_dma2 semaphore(%run_scoped3A : memref<!tpu.dma_semaphore, #tpu.memory_space<semaphore_mem>>) src(%arg8 : memref<80x256xf32, #tpu.memory_space<vmem>>) dst(%dma_wait3A_41 : memref<80x256xf32, #tpu.memory_space<hbm>>)
          tpu.yield
        }) : () -> ()
      } else {
      }
    }
    %scan3A_4 = arith.constant 4 : i32
    return
  }
}

module attributes {stable_mosaic.version = 14 : i64} {
  func.func @_tc_body(%arg0: i32, %arg1: memref<400x256xf32, #tpu.memory_space<vmem>>, %arg2: memref<1x1x400xi32, #tpu.memory_space<vmem>>, %arg3: memref<512x256xf32, #tpu.memory_space<vmem>>, %arg4: memref<256x256xf32, #tpu.memory_space<vmem>>, %arg5: memref<256x256xf32, #tpu.memory_space<vmem>>, %arg6: memref<1x256xf32, #tpu.memory_space<vmem>>, %arg7: memref<1x256xf32, #tpu.memory_space<vmem>>, %arg8: memref<1x256xf32, #tpu.memory_space<vmem>>, %arg9: memref<512x256xf32, #tpu.memory_space<vmem>>, %arg10: memref<512x256xf32, #tpu.memory_space<vmem>>, %arg11: memref<512x1xf32, #tpu.memory_space<vmem>>) attributes {dimension_semantics = [#tpu.dimension_semantics<arbitrary>], iteration_bounds = array<i64: 25>, scalar_prefetch = 0 : i64, scratch_operands = 2 : i64, tpu.core_type = #tpu.core_type<tc>, window_params = [{transform_indices = @transform_0, window_bounds = array<i64: 400, 256>}, {transform_indices = @transform_1, window_bounds = array<i64: 1, 1, 400>}, {pipeline_mode = #tpu.pipeline_mode<synchronous>, transform_indices = @transform_2, window_bounds = array<i64: 512, 256>}, {pipeline_mode = #tpu.pipeline_mode<synchronous>, transform_indices = @transform_3, window_bounds = array<i64: 256, 256>}, {pipeline_mode = #tpu.pipeline_mode<synchronous>, transform_indices = @transform_4, window_bounds = array<i64: 256, 256>}, {pipeline_mode = #tpu.pipeline_mode<synchronous>, transform_indices = @transform_5, window_bounds = array<i64: 1, 256>}, {pipeline_mode = #tpu.pipeline_mode<synchronous>, transform_indices = @transform_6, window_bounds = array<i64: 1, 256>}, {pipeline_mode = #tpu.pipeline_mode<synchronous>, transform_indices = @transform_7, window_bounds = array<i64: 1, 256>}, {pipeline_mode = #tpu.pipeline_mode<synchronous>, transform_indices = @transform_8, window_bounds = array<i64: 512, 256>}]} {
    %get3A = arith.constant 0 : index
    %get3A_0 = arith.constant 0 : index
    %get3A_1 = arith.constant 0 : index
    %get3A_2 = vector.load %arg2[%get3A, %get3A_0, %get3A_1] : memref<1x1x400xi32, #tpu.memory_space<vmem>>, vector<1x1x400xi32>
    %get3A_3 = vector.shape_cast %get3A_2 : vector<1x1x400xi32> to vector<400xi32>
    %broadcast_in_dim3A = vector.shape_cast %get3A_3 : vector<400xi32> to vector<400x1xi32>
    %iota3A = tpu.iota {dimensions = array<i32: 1>} : vector<400x512xi32>
    %eq3A = vector.broadcast %broadcast_in_dim3A : vector<400x1xi32> to vector<400x512xi32>
    %eq3A_4 = arith.cmpi eq, %eq3A, %iota3A : vector<400x512xi32>
    %convert_element_type3A = arith.extui %eq3A_4 : vector<400x512xi1> to vector<400x512xi32>
    %convert_element_type3A_5 = arith.sitofp %convert_element_type3A : vector<400x512xi32> to vector<400x512xf32>
    %get3A_6 = arith.constant 0 : index
    %get3A_7 = arith.constant 0 : index
    %get3A_8 = vector.load %arg1[%get3A_6, %get3A_7] : memref<400x256xf32, #tpu.memory_space<vmem>>, vector<400x256xf32>
    %dot_general3A = arith.constant dense<0.000000e+00> : vector<512x256xf32>
    %dot_general3A_9 = tpu.matmul %convert_element_type3A_5, %get3A_8, %dot_general3A {dimension_numbers = #tpu.dot_dimension_numbers<[0], [0], [1], [1], [0, 1, 1, 1], [], []>, transpose_lhs_hint = false} : vector<400x512xf32>, vector<400x256xf32>, vector<512x256xf32> -> vector<512x256xf32>
    %reduce_sum3A = arith.constant dense<0.000000e+00> : vector<512xf32>
    %reduce_sum3A_10 = vector.multi_reduction <add>, %convert_element_type3A_5, %reduce_sum3A [0] : vector<400x512xf32> to vector<512xf32>
    %reshape3A = vector.shape_cast %reduce_sum3A_10 : vector<512xf32> to vector<512x1xf32>
    %eq3A_11 = arith.constant 0 : i32
    %eq3A_12 = arith.cmpi eq, %arg0, %eq3A_11 : i32
    %convert_element_type3A_13 = arith.extui %eq3A_12 : i1 to i32
    %cond3A = arith.constant 0 : i32
    %cond3A_14 = arith.cmpi ne, %convert_element_type3A_13, %cond3A : i32
    scf.if %cond3A_14 {
      %swap3A = arith.constant 0 : index
      %swap3A_24 = arith.constant 0 : index
      %swap3A_25 = vector.load %arg10[%swap3A, %swap3A_24] : memref<512x256xf32, #tpu.memory_space<vmem>>, vector<512x256xf32>
      tpu.vector_store %arg10[%swap3A, %swap3A_24], %dot_general3A_9 {strides = array<i32>} : memref<512x256xf32, #tpu.memory_space<vmem>>, vector<512x256xf32>,
      %swap3A_26 = arith.constant 0 : index
      %swap3A_27 = arith.constant 0 : index
      %swap3A_28 = vector.load %arg11[%swap3A_26, %swap3A_27] : memref<512x1xf32, #tpu.memory_space<vmem>>, vector<512x1xf32>
      tpu.vector_store %arg11[%swap3A_26, %swap3A_27], %reshape3A {strides = array<i32>} : memref<512x1xf32, #tpu.memory_space<vmem>>, vector<512x1xf32>,
    } else {
    }
    %gt3A = arith.constant 0 : i32
    %gt3A_15 = arith.cmpi sgt, %arg0, %gt3A : i32
    %convert_element_type3A_16 = arith.extui %gt3A_15 : i1 to i32
    %cond3A_17 = arith.constant 0 : i32
    %cond3A_18 = arith.cmpi ne, %convert_element_type3A_16, %cond3A_17 : i32
    scf.if %cond3A_18 {
      %get3A_24 = arith.constant 0 : index
      %get3A_25 = arith.constant 0 : index
      %get3A_26 = vector.load %arg10[%get3A_24, %get3A_25] : memref<512x256xf32, #tpu.memory_space<vmem>>, vector<512x256xf32>
      %add3A = arith.addf %get3A_26, %dot_general3A_9 : vector<512x256xf32>
      %swap3A = arith.constant 0 : index
      %swap3A_27 = arith.constant 0 : index
      %swap3A_28 = vector.load %arg10[%swap3A, %swap3A_27] : memref<512x256xf32, #tpu.memory_space<vmem>>, vector<512x256xf32>
      tpu.vector_store %arg10[%swap3A, %swap3A_27], %add3A {strides = array<i32>} : memref<512x256xf32, #tpu.memory_space<vmem>>, vector<512x256xf32>,
      %get3A_29 = arith.constant 0 : index
      %get3A_30 = arith.constant 0 : index
      %get3A_31 = vector.load %arg11[%get3A_29, %get3A_30] : memref<512x1xf32, #tpu.memory_space<vmem>>, vector<512x1xf32>
      %add3A_32 = arith.addf %get3A_31, %reshape3A : vector<512x1xf32>
      %swap3A_33 = arith.constant 0 : index
      %swap3A_34 = arith.constant 0 : index
      %swap3A_35 = vector.load %arg11[%swap3A_33, %swap3A_34] : memref<512x1xf32, #tpu.memory_space<vmem>>, vector<512x1xf32>
      tpu.vector_store %arg11[%swap3A_33, %swap3A_34], %add3A_32 {strides = array<i32>} : memref<512x1xf32, #tpu.memory_space<vmem>>, vector<512x1xf32>,
    } else {
    }
    %eq3A_19 = arith.constant 24 : i32
    %eq3A_20 = arith.cmpi eq, %arg0, %eq3A_19 : i32
    %convert_element_type3A_21 = arith.extui %eq3A_20 : i1 to i32
    %cond3A_22 = arith.constant 0 : i32
    %cond3A_23 = arith.cmpi ne, %convert_element_type3A_21, %cond3A_22 : i32
    scf.if %cond3A_23 {
      %get3A_24 = arith.constant 0 : index
      %get3A_25 = arith.constant 0 : index
      %get3A_26 = vector.load %arg10[%get3A_24, %get3A_25] : memref<512x256xf32, #tpu.memory_space<vmem>>, vector<512x256xf32>
      %get3A_27 = arith.constant 0 : index
      %get3A_28 = arith.constant 0 : index
      %get3A_29 = vector.load %arg11[%get3A_27, %get3A_28] : memref<512x1xf32, #tpu.memory_space<vmem>>, vector<512x1xf32>
      %get3A_30 = arith.constant 0 : index
      %get3A_31 = arith.constant 0 : index
      %get3A_32 = vector.load %arg3[%get3A_30, %get3A_31] : memref<512x256xf32, #tpu.memory_space<vmem>>, vector<512x256xf32>
      %mul3A = vector.broadcast %get3A_29 : vector<512x1xf32> to vector<512x256xf32>
      %mul3A_33 = arith.mulf %mul3A, %get3A_32 : vector<512x256xf32>
      %add3A = arith.addf %get3A_26, %mul3A_33 : vector<512x256xf32>
      %get3A_34 = arith.constant 0 : index
      %get3A_35 = arith.constant 0 : index
      %get3A_36 = vector.load %arg3[%get3A_34, %get3A_35] : memref<512x256xf32, #tpu.memory_space<vmem>>, vector<512x256xf32>
      %get3A_37 = arith.constant 0 : index
      %get3A_38 = arith.constant 0 : index
      %get3A_39 = vector.load %arg4[%get3A_37, %get3A_38] : memref<256x256xf32, #tpu.memory_space<vmem>>, vector<256x256xf32>
      %dot_general3A_40 = arith.constant dense<0.000000e+00> : vector<512x256xf32>
      %dot_general3A_41 = tpu.matmul %get3A_36, %get3A_39, %dot_general3A_40 {dimension_numbers = #tpu.dot_dimension_numbers<[1], [1], [0], [0], [0, 0, 1, 0], [], []>, transpose_lhs_hint = false} : vector<512x256xf32>, vector<256x256xf32>, vector<512x256xf32> -> vector<512x256xf32>
      %get3A_42 = arith.constant 0 : index
      %get3A_43 = arith.constant 0 : index
      %get3A_44 = vector.load %arg5[%get3A_42, %get3A_43] : memref<256x256xf32, #tpu.memory_space<vmem>>, vector<256x256xf32>
      %dot_general3A_45 = arith.constant dense<0.000000e+00> : vector<512x256xf32>
      %dot_general3A_46 = tpu.matmul %add3A, %get3A_44, %dot_general3A_45 {dimension_numbers = #tpu.dot_dimension_numbers<[1], [1], [0], [0], [0, 0, 1, 0], [], []>, transpose_lhs_hint = false} : vector<512x256xf32>, vector<256x256xf32>, vector<512x256xf32> -> vector<512x256xf32>
      %add3A_47 = arith.addf %dot_general3A_41, %dot_general3A_46 : vector<512x256xf32>
      %get3A_48 = arith.constant 0 : index
      %get3A_49 = arith.constant 0 : index
      %get3A_50 = vector.load %arg6[%get3A_48, %get3A_49] : memref<1x256xf32, #tpu.memory_space<vmem>>, vector<1x256xf32>
      %add3A_51 = vector.broadcast %get3A_50 : vector<1x256xf32> to vector<512x256xf32>
      %add3A_52 = arith.addf %add3A_47, %add3A_51 : vector<512x256xf32>
      %get3A_53 = arith.constant 0 : index
      %get3A_54 = arith.constant 0 : index
      %get3A_55 = vector.load %arg7[%get3A_53, %get3A_54] : memref<1x256xf32, #tpu.memory_space<vmem>>, vector<1x256xf32>
      %mul3A_56 = vector.broadcast %get3A_55 : vector<1x256xf32> to vector<512x256xf32>
      %mul3A_57 = arith.mulf %add3A_52, %mul3A_56 : vector<512x256xf32>
      %get3A_58 = arith.constant 0 : index
      %get3A_59 = arith.constant 0 : index
      %get3A_60 = vector.load %arg8[%get3A_58, %get3A_59] : memref<1x256xf32, #tpu.memory_space<vmem>>, vector<1x256xf32>
      %add3A_61 = vector.broadcast %get3A_60 : vector<1x256xf32> to vector<512x256xf32>
      %add3A_62 = arith.addf %mul3A_57, %add3A_61 : vector<512x256xf32>
      %max3A = arith.constant 0.000000e+00 : f32
      %max3A_63 = vector.broadcast %max3A : f32 to vector<512x256xf32>
      %max3A_64 = arith.maximumf %add3A_62, %max3A_63 : vector<512x256xf32>
      %swap3A = arith.constant 0 : index
      %swap3A_65 = arith.constant 0 : index
      %swap3A_66 = vector.load %arg9[%swap3A, %swap3A_65] : memref<512x256xf32, #tpu.memory_space<vmem>>, vector<512x256xf32>
      tpu.vector_store %arg9[%swap3A, %swap3A_65], %max3A_64 {strides = array<i32>} : memref<512x256xf32, #tpu.memory_space<vmem>>, vector<512x256xf32>,
    } else {
    }
    return
  }
  func.func @transform_0(%arg0: i32) -> (i32, i32) {
    %c0_i32 = arith.constant 0 : i32
    %c0_i32_0 = arith.constant 0 : i32
    return %arg0, %c0_i32 : i32, i32
  }
  func.func @transform_1(%arg0: i32) -> (i32, i32, i32) {
    %c0_i32 = arith.constant 0 : i32
    %c0_i32_0 = arith.constant 0 : i32
    %c0_i32_1 = arith.constant 0 : i32
    return %arg0, %c0_i32, %c0_i32_0 : i32, i32, i32
  }
  func.func @transform_2(%arg0: i32) -> (i32, i32) {
    %c0_i32 = arith.constant 0 : i32
    %c0_i32_0 = arith.constant 0 : i32
    %c0_i32_1 = arith.constant 0 : i32
    return %c0_i32, %c0_i32_0 : i32, i32
  }
  func.func @transform_3(%arg0: i32) -> (i32, i32) {
    %c0_i32 = arith.constant 0 : i32
    %c0_i32_0 = arith.constant 0 : i32
    %c0_i32_1 = arith.constant 0 : i32
    return %c0_i32, %c0_i32_0 : i32, i32
  }
  func.func @transform_4(%arg0: i32) -> (i32, i32) {
    %c0_i32 = arith.constant 0 : i32
    %c0_i32_0 = arith.constant 0 : i32
    %c0_i32_1 = arith.constant 0 : i32
    return %c0_i32, %c0_i32_0 : i32, i32
  }
  func.func @transform_5(%arg0: i32) -> (i32, i32) {
    %c0_i32 = arith.constant 0 : i32
    %c0_i32_0 = arith.constant 0 : i32
    %c0_i32_1 = arith.constant 0 : i32
    return %c0_i32, %c0_i32_0 : i32, i32
  }
  func.func @transform_6(%arg0: i32) -> (i32, i32) {
    %c0_i32 = arith.constant 0 : i32
    %c0_i32_0 = arith.constant 0 : i32
    %c0_i32_1 = arith.constant 0 : i32
    return %c0_i32, %c0_i32_0 : i32, i32
  }
  func.func @transform_7(%arg0: i32) -> (i32, i32) {
    %c0_i32 = arith.constant 0 : i32
    %c0_i32_0 = arith.constant 0 : i32
    %c0_i32_1 = arith.constant 0 : i32
    return %c0_i32, %c0_i32_0 : i32, i32
  }
  func.func @transform_8(%arg0: i32) -> (i32, i32) {
    %c0_i32 = arith.constant 0 : i32
    %c0_i32_0 = arith.constant 0 : i32
    %c0_i32_1 = arith.constant 0 : i32
    return %c0_i32, %c0_i32_0 : i32, i32
  }
}

</mosaic_0001>

<sc_bundles>
// kernel: kernel.4.cloned.1.call-start
scs
__scs_entry_jumppad:
0x0: {  	(pc) =	sbr.rel $0x88, $3  }
0x1: {  	(tag) =	ssettag $0x0;
	lr =	simm.s32 $0x1  }
0x2: {  	[smem:$0x3F96] =	sst lr;
	_ =	strace $0xD0000000  }
0x3: {  	_ = 	snop  }
0x4: {  	_ = 	snop  }
0x5: {  	_ = 	snop  }
0x6: {  	_ = 	snop  }
0x7: {  	_ = 	snop  }
__scs_overlays_trampoline_lowered:
0x8: {  	[smem:$0x3FA5] =	sst s0  }
0x9: {  	[smem:$0x3FA6] =	sst s1  }
0xa: {  	[smem:$0x3FA7] =	sst s2  }
0xb: {  	[smem:$0x3FA8] =	sst s3  }
0xc: {  	[smem:$0x3FA9] =	sst s4  }
0xd: {  	[smem:$0x3FAA] =	sst s5  }
0xe: {  	[smem:$0x3FAB] =	sst s6  }
0xf: {  	[smem:$0x3FAC] =	sst s7  }
0x10: {  	[smem:$0x3FAD] =	sst s8  }
0x11: {  	[smem:$0x3FAE] =	sst s9;
	s0 =	simm.s32 @!p0 $0x0  }
0x12: {  	s1 =	sld [smem:$0x3F94];
	s0 =	simm.s32 @p0 $0x1  }
0x13: {  	[smem:$0x3FAF] =	sst s0;
	s0 =	simm.s32 @!p1 $0x0  }
0x14: {  	s2 =	sld [smem:$0x3F93];
	s0 =	simm.s32 @p1 $0x1  }
0x15: {  	[smem:$0x3FB0] =	sst s0;
	s0 =	simm.s32 @!p2 $0x0  }
0x16: {  	s3 =	sld [smem:$0x3FDB];
	s0 =	simm.s32 @p2 $0x1  }
0x17: {  	s4 =	simm.s32 $0x1BF5;
	[smem:$0x3FB2] =	sst s0  }
0x18: {  	s0 =	sld [smem:$0x3F95];
	_ =	swait.ge [sflag:s4], $0x0  }
0x19: {  	s7 =	sld [smem:$0x3F96]  }
0x1a: {  	s8 =	sadd.s32 $0xFFFFE003, lr  }
0x1b: {  	s9 =	sadd.s32 $0xFFFFFEF7, lr;
	s5 =	simm.s32 $0xFFFFFFFF;
	p2 =	slt.u32 s8, $0xFFFFF086  }
0x1c: {  	p1 =	slt.u32 s9, $0xF7A;
	s5 =	simm.s32 @!p2 $0x0  }
0x1d: {  	s5 =	simm.s32 @p1 $0x1;
	p0 =	seq.s32 s7, s2  }
0x1e: {  	s7 =	smul.u32 @!p0 $0xF7A, s2;
	p2 =	seq.s32 @!p0 s5, $0x0  }
0x1f: {  	s9 =	smul.u32 $0xF7A, s1;
	s8 =	simm.s32 @!p0 $0x1BF5;
	p2 =	por !p2, p0  }
0x20: {  	[sflag:s8] =	ssyncset.s32 @!p0 $0xFFFFF086;
	s6 =	sadd.s32 @!p0 s3, s7;
	s7 =	simm.s32 @!p0 $0x108  }
0x21: {  	s3 =	sadd.s32 s3, s9;
	s6 =	sadd.s32 @!p0 $0x88, s6;
	s7 =	simm.s32 @p2 $0x1082  }
0x22: {  	[simem:s7], [sflag:s8] =	dma.local @!p0 [hbm:s6], $0xF7A  }
0x23: {  	s9 =	sor.u32 $0xD0000000, s2;
	s6 =	simm.s32 $0x108;
	_ =	swait.ge @!p0 [sflag:s8], $0x0  }
0x24: {  	s3 =	sadd.s32 $0x88, s3;
	s6 =	simm.s32 @!p1 $0x1082;
	[sflag:s4] =	ssyncset.s32 $0xFFFFF086  }
0x25: {  	[simem:s6], [sflag:s4] =	dma.local [hbm:s3], $0xF7A  }
0x26: {  	[smem:$0x3F96] =	sst s1;
	(tag) =	ssettag s2;
	_ =	strace s9  }
0x27: {  	s1 =	sld [smem:$0x3FA6]  }
0x28: {  	s2 =	sld [smem:$0x3FA7]  }
0x29: {  	s4 =	sld [smem:$0x3FA9]  }
0x2a: {  	p0 =	seq.s32 s5, $0x0;
	s5 =	sld [smem:$0x3FAA]  }
0x2b: {  	s6 =	sld [smem:$0x3FAB]  }
0x2c: {  	s7 =	sld [smem:$0x3FAC]  }
0x2d: {  	s3 =	simm.s32 $0x108;
	s8 =	sld [smem:$0x3FAD]  }
0x2e: {  	s3 =	simm.s32 @!p0 $0x1082;
	s9 =	sld [smem:$0x3FAE]  }
0x2f: {  	lr =	sadd.s32 s0, s3;
	s0 =	sld [smem:$0x3FA5]  }
0x30: {  	s3 =	sld [smem:$0x3FA8]  }
0x31: {  	[smem:$0x3FB1] =	sst s10  }
0x32: {  	s10 =	sld [smem:$0x3FAF];
	_ =	sdelay $0x3  }
0x33: {  	p0 =	seq.s32 s10, $0x1;
	s10 =	sld [smem:$0x3FB1];
	_ =	sdelay $0x3  }
0x34: {  	[smem:$0x3FB1] =	sst s10  }
0x35: {  	s10 =	sld [smem:$0x3FB0];
	_ =	sdelay $0x3  }
0x36: {  	p1 =	seq.s32 s10, $0x1;
	s10 =	sld [smem:$0x3FB1];
	_ =	sdelay $0x3  }
0x37: {  	[smem:$0x3FB1] =	sst s10  }
0x38: {  	s10 =	sld [smem:$0x3FB2]  }
0x39: {  	_ = 	snop;
	(pc) =	sbr.ind lr, $3  }
0x3a: {  	_ = 	snop  }
0x3b: {  	_ = 	snop  }
0x3c: {  	p2 =	seq.s32 s10, $0x1;
	s10 =	sld [smem:$0x3FB1]  }
0x3d: {  	_ =	shalt  }
0x3e: {  	_ =	shalt  }
0x3f: {  	_ =	shalt  }
0x40: {  	_ =	shalt  }
0x41: {  	_ =	shalt  }
0x42: {  	_ =	shalt  }
0x43: {  	_ =	shalt  }
0x44: {  	_ =	shalt  }
0x45: {  	_ =	shalt  }
0x46: {  	_ =	shalt  }
0x47: {  	_ =	shalt  }
0x48: {  	_ =	shalt  }
0x49: {  	_ =	shalt  }
0x4a: {  	_ =	shalt  }
0x4b: {  	_ =	shalt  }
0x4c: {  	_ =	shalt  }
0x4d: {  	_ =	shalt  }
0x4e: {  	_ =	shalt  }
0x4f: {  	_ =	shalt  }
0x50: {  	_ =	shalt  }
0x51: {  	_ =	shalt  }
0x52: {  	_ =	shalt  }
0x53: {  	_ =	shalt  }
0x54: {  	_ =	shalt  }
0x55: {  	_ =	shalt  }
0x56: {  	_ =	shalt  }
0x57: {  	_ =	shalt  }
0x58: {  	_ =	shalt  }
0x59: {  	_ =	shalt  }
0x5a: {  	_ =	shalt  }
0x5b: {  	_ =	shalt  }
0x5c: {  	_ =	shalt  }
0x5d: {  	_ =	shalt  }
0x5e: {  	_ =	shalt  }
0x5f: {  	_ =	shalt  }
0x60: {  	_ =	shalt  }
0x61: {  	_ =	shalt  }
0x62: {  	_ =	shalt  }
0x63: {  	_ =	shalt  }
0x64: {  	_ =	shalt  }
0x65: {  	_ =	shalt  }
0x66: {  	_ =	shalt  }
0x67: {  	_ =	shalt  }
0x68: {  	_ =	shalt  }
0x69: {  	_ =	shalt  }
0x6a: {  	_ =	shalt  }
0x6b: {  	_ =	shalt  }
0x6c: {  	_ =	shalt  }
0x6d: {  	_ =	shalt  }
0x6e: {  	_ =	shalt  }
0x6f: {  	_ =	shalt  }
0x70: {  	_ =	shalt  }
0x71: {  	_ =	shalt  }
0x72: {  	_ =	shalt  }
0x73: {  	_ =	shalt  }
0x74: {  	_ =	shalt  }
0x75: {  	_ =	shalt  }
0x76: {  	_ =	shalt  }
0x77: {  	_ =	shalt  }
0x78: {  	_ =	shalt  }
0x79: {  	_ =	shalt  }
0x7a: {  	_ =	shalt  }
0x7b: {  	_ =	shalt  }
0x7c: {  	_ =	shalt  }
0x7d: {  	_ =	shalt  }
0x7e: {  	_ =	shalt  }
0x7f: {  	_ =	shalt  }
0x80: {  	_ =	shalt  }
0x81: {  	_ =	shalt  }
0x82: {  	_ =	shalt  }
0x83: {  	_ =	shalt  }
0x84: {  	_ =	shalt  }
0x85: {  	_ =	shalt  }
0x86: {  	_ =	shalt  }
0x87: {  	_ =	shalt  }
.Lfunc_end0:
.L_simem_size_0:
called_computation_lowered:
.L_overlay_start_0:
0x88: {  	s2 =	sld [smem:$0x3FD9]  }
0x89: {  	s3 =	sld [smem:$0x3FFE];
	_ =	sdelay $0x1  }
0x8a: {  	s1 =	srdreg.scid  }
0x8b: {  	s0 =	sand.u32 $0x1, s1  }
0x8c: {  	s15 =	sshll.u32 s0, $0xA;
	s2 =	sadd.s32 s3, s2  }
0x8d: {  	s2 =	sadd.s32 s2, s15  }
0x8e: {  	[smem:$0x3FBD] =	sst s2  }
0x8f: {  	_ = 	snop  }
0x90: {  	s2 =	sld [smem:$0x3FD0]  }
0x91: {  	s16 =	sld [smem:$0x3FC9]  }
0x92: {  	s4 =	sld [smem:$0x3FC8]  }
0x93: {  	s6 =	simm.s32 $0xA;
	s7 =	simm.s32 $0x10;
	s5 =	sld [smem:$0x3FC7]  }
0x94: {  	[smem:s7], [sflag:s6] =	dma.local [hbm:s2], $0x1  }
0x95: {  	_ =	swait.eq [sflag:s6], $0x1  }
0x96: {  	[sflag:s6] =	ssyncset.done $0x0  }
0x97: {  	[sflag:s6] =	ssyncadd.s32 $0xFFFFFFFF  }
0x98: {  	s17 =	sld [smem:$0x10];
	(tm) =	ssettm $0x1  }
0x99: {  	s18 =	sld [smem:$0x3FFB];
	_ =	sdelay $0x3  }
0x9a: {  	_ =	strace s18  }
0x9b: {  	s6 =	sld [smem:$0x3FFC];
	_ =	sdelay $0x3  }
0x9c: {  	_ =	strace s6  }
0x9d: {  	s6 =	sld [smem:$0x3FFD];
	_ =	sdelay $0x3  }
0x9e: {  	_ =	strace s6  }
0x9f: {  	_ =	strace $0x8FFFFFFF  }
0xa0: {  	s19 =	sld [smem:$0x3FDB];
	_ =	sdelay $0x1  }
0xa1: {  	s20 =	simm.s32 $_scs_section_size  }
0xa2: {  	s8 =	simm.s32 $_size__tile_overlayer_lowered;
	s9 =	simm.s32 $_tile_overlayer_lowered  }
0xa3: {  	s23 =	simm.s32 $0x1BFF;
	s22 =	sshll.u32 s9, $0x1;
	s6 =	sadd.s32 s20, s19  }
0xa4: {  	s10 =	simm.s32 $0x0;
	s21 =	sshll.u32 s8, $0x1;
	s8 =	sadd.s32 s22, s6  }
0xa5: {  	[timem:s10], [sflag:s23] =	dma.local [hbm:s8], s21  }
0xa6: {  	_ =	swait.ge [sflag:s23], s21  }
0xa7: {  	s7 =	ssub.s32 $0x0, s21;
	[sflag:s23] =	ssyncset.done $0x0  }
0xa8: {  	[sflag:s23] =	ssyncadd.s32 s7;
	_ =	sdelay $0x1  }
0xa9: {  	s24 =	simm.s32 $0x1B8B  }
0xaa: {  	_ =	swait.ge [sflag:s24], $0x1  }
0xab: {  	[sflag:s24] =	ssyncset.done $0x0  }
0xac: {  	s25 =	simm.s32 $0x1B8E;
	[sflag:s24] =	ssyncadd.s32 $0xFFFFFFFF  }
0xad: {  	s26 =	simm.s32 $execute0_lowered;
	[smem:$0x3FD2] =	sst s25  }
0xae: {  	s7 =	sshll.u32 s26, $0x1;
	_ =	strace $0x80000046;
	[dreg:$0x1] =	wrdreg $0xFFFFFFFF  }
0xaf: {  	s28 =	simm.s32 $_size_execute0_lowered;
	s6 =	sadd.s32 s6, s7;
	[dreg:$0x0] =	wrdreg $0x0  }
0xb0: {  	s7 =	sshll.u32 s28, $0x1;
	[dreg:$0x2] =	wrdreg s6  }
0xb1: {  	[dreg:$0x3] =	wrdreg s7  }
0xb2: {  	[dreg:$0x4] =	wrdreg $0xC0  }
0xb3: {  	_ =	task [dreg:s10], $0x5FFFF  }
0xb4: {  	[dreg:$0x1] =	wrdreg $0xFFFFFFFF  }
0xb5: {  	[dreg:$0x0] =	wrdreg $0x60  }
0xb6: {  	[dreg:$0x2] =	wrdreg s16  }
0xb7: {  	[dreg:$0x3] =	wrdreg s4  }
0xb8: {  	[dreg:$0x4] =	wrdreg s5  }
0xb9: {  	[dreg:$0x5] =	wrdreg s17  }
0xba: {  	[dreg:$0x6] =	wrdreg $0x9  }
0xbb: {  	_ =	task.clear_ibuf [dreg:s10], $0x7FFFF;
	_ =	strace $0x90000046  }
0xbc: {  	s29 =	simm.s32 $0x9;
	_ =	strace $0x80000048  }
0xbd: {  	_ =	swait.ge [sflag:s29], $0x1  }
0xbe: {  	[sflag:s29] =	ssyncadd.s32 $0xFFFFFFFF  }
0xbf: {  	_ =	strace $0x90000048  }
0xc0: {  	_ =	sfence  }
0xc1: {  	s30 =	sld [smem:$0x0];
	_ =	sdelay $0x2  }
0xc2: {  	s31 =	sshll.u32 s1, $0xD;
	s1 =	sshrl.u32 s1, $0x2  }
0xc3: {  	s3 =	sand.u32 $0x4000, s31;
	s1 =	sadd.s32 s1, s30  }
0xc4: {  	s0 =	sor.u32 s3, s0;
	s1 =	sshll.u32 s1, $0x11  }
0xc5: {  	s0 =	sor.u32 s1, s0  }
0xc6: {  	s0 =	sadd.s32 $0x8F2B, s0  }
0xc7: {  	[sflag:s0] =	ssyncadd.remote.s32 $0x1  }
0xc8: {  	_ =	sfence.sel $0xFFFF  }
0xc9: {  	[dreg:$0x0] =	wrdreg $0xFFFFFFFF;
	(pc) =	sbr.abs _section_cstart, $3  }
0xca: {  	[dreg:$0x1] =	wrdreg $0xFFFFFFFF  }
0xcb: {  	_ =	task.clear_ibuf [dreg:s10], $0x2FFFF;
	_ =	strace $0x9FFFFFFF  }
0xcc: {  	(tm) =	ssettm $0x7FFFFFFF  }
0xcd: {  	_ =	shalt  }
tec
execute0_lowered:
.L_overlay_start_1:
0x0: {  	(tag) =	ssettag $0x1  }
0x1: {  	s1 =	rddreg [dreg:$0x0]  }
0x2: {  	s2 =	rddreg [dreg:$0x1]  }
0x3: {  	s3 =	rddreg [dreg:$0x2]  }
0x4: {  	s0 =	srdreg.scid;
	s4 =	rddreg [dreg:$0x3];
	s5 =	simm.s32 $0x0  }
0x5: {  	s6 =	stileid.u32;
	s10 =	simm.s32 $0x80;
	s11 =	simm.s32 $0x5080  }
0x6: {  	s12 =	simm.s32 $0x5880;
	s13 =	simm.s32 $0x6080;
	s14 =	simm.s32 $0x6880  }
0x7: {  	s15 =	simm.s32 $0x7080;
	s16 =	simm.s32 $0x7880;
	s17 =	simm.s32 $0x8080  }
0x8: {  	s18 =	simm.s32 $0x8880;
	s19 =	simm.s32 $0x9080;
	s7 =	sand.u32 $0x1, s0  }
.Ltmp0:
0x9: {  	s20 =	simm.s32 $0x9880;
	s8 =	ssub.s32 $0x2, s7;
	(pc) =	sbr.rel .LBB2_1-.Ltmp0, $4  }
0xa: {  	s21 =	simm.s32 $0x1;
	s22 =	simm.s32 $0x2;
	s9 =	sshrl.u32 s8, $0x1  }
0xb: {  	v2 =	vlaneseq.u32;
	s23 =	simm.s32 $0x3;
	[smem:$0x7FF] =	sst s5;
	s8 =	ssub.s32 s8, s9  }
0xc: {  	vm0 =	vmmov $0xffff;
	s24 =	simm.s32 $0x0;
	v1 =	vshrl.u32 v2, $0x3;
	_ =	strace $0x80000047;
	s31 =	smax.u32 s8, $0x1  }
0xd: {  	v0 =	vand.u32 $0x7, v2;
	v2 =	vor.u32 $0x8, v2;
	s7 =	sshll.u32 s7, $0x4;
	v1 =	vmul.u32 $0x8, v1;
	s9 =	simm.s32 $0x4;
	[dreg:$0x5] =	wrdreg s31  }
.LBB2_7:
0xe: {  	s24 =	sadd.s32 $0x1, s24;
	s0 =	rddreg [dreg:$0x5]  }
0xf: {  	p0 =	sne.s32 s24, s0  }
.Ltmp1:
0x10: {  	_ = 	snop;
	(pc) =	sbr.rel @!p0 .LBB2_8-.Ltmp1, $1  }
0x11: {  	_ =	sdelay $0x3  }
.LBB2_1:
.Ltmp2:
0x12: {  	(pc) =	sbr.rel .LBB2_2-.Ltmp2, $2  }
0x13: {  	_ =	sdelay $0x2  }
0x14: {  	s25 =	simm.s32 $0x0  }
.LBB2_6:
0x15: {  	s25 =	sadd.s32 $0x1, s25  }
0x16: {  	p0 =	sne.s32 s25, $0x4  }
.Ltmp3:
0x17: {  	_ = 	snop;
	(pc) =	sbr.rel @!p0 .LBB2_7-.Ltmp3, $1  }
0x18: {  	_ =	sdelay $0x3  }
.LBB2_2:
0x19: {  	s26 =	sshll.u32 s25, $0x5  }
0x1a: {  	s26 =	sor.u32 s26, s7  }
0x1b: {  	s26 =	sor.u32 s6, s26  }
0x1c: {  	p0 =	sgt.u32 s26, $0x7C  }
.Ltmp4:
0x1d: {  	_ = 	snop;
	(pc) =	sbr.rel @p0 .LBB2_6-.Ltmp4, $1  }
0x1e: {  	_ =	sdelay $0x3  }
0x1f: {  	s28 =	smul.u32 $0xA, s26;
	_ =	sdelay $0x1  }
0x20: {  	s29 =	sadd.s32 s2, s28;
	s28 =	simm.s32 $0x0  }
0x21: {  	[tilespmem:s28], [sflag:$0x4] =	stream.linear.gather [hbm4b:s29+s28], $0x50, $0x38;
	[tilespmem:$0xA080] =	vst v63  }
0x22: {  	s26 =	smul.u32 $0xA00, s26;
	_ =	swait.ge [sflag:s9], $0x50  }
0x23: {  	[sflag:s9] =	ssyncset.done $0x0  }
0x24: {  	s29 =	sadd.s32 s1, s26;
	[sflag:s9] =	ssyncadd.s32 $0xFFFFFFB0  }
0x25: {  	[tilespmem:s10], [sflag:$0x1] =	stream.linear.gather [hbm4b:s29+s28], $0x5000, $0x38;
	[tilespmem:$0xA080] =	vst v63  }
0x26: {  	v3 =	vld [tilespmem:$0x0];
	_ =	sdelay $0x4  }
0x27: {  	v4 =	vshll.u32 v3, $0x1  }
0x28: {  	v3 =	vand.u32 $0x7, v3;
	v4 =	vand.u32 $0xFFFFFFF0, v4  }
0x29: {  	v3 =	vor.u32 v3, v4  }
0x2a: {  	v4 =	vperm.xlane v3, v0;
	_ =	sdelay $0x1  }
0x2b: {  	v3 =	vperm.xlane v3, v2;
	v4 =	vadd.s32 v1, v4;
	_ =	sdelay $0x1  }
0x2c: {  	v3 =	vadd.s32 v1, v3;
	_ =	sdelay $0x2  }
0x2d: {  	[tilespmem:s11], [sflag:$0x2] =	stream.indirect_vreg.gather [hbm4b:s3+s28], $0x80, v4, vm0, $0xb8;
	[tilespmem:$0xA080] =	vst v63  }
0x2e: {  	_ = 	snop  }
0x2f: {  	[tilespmem:s12], [sflag:$0x2] =	stream.indirect_vreg.gather [hbm4b:s3+s28], $0x80, v3, vm0, $0xb8;
	[tilespmem:$0xA080] =	vst v63  }
0x30: {  	v3 =	vld [tilespmem:$0x10];
	_ =	sdelay $0x4  }
0x31: {  	v4 =	vshll.u32 v3, $0x1  }
0x32: {  	v3 =	vand.u32 $0x7, v3;
	v4 =	vand.u32 $0xFFFFFFF0, v4  }
0x33: {  	v3 =	vor.u32 v3, v4  }
0x34: {  	v4 =	vperm.xlane v3, v0;
	_ =	sdelay $0x1  }
0x35: {  	v3 =	vperm.xlane v3, v2;
	v4 =	vadd.s32 v1, v4;
	_ =	sdelay $0x1  }
0x36: {  	v3 =	vadd.s32 v1, v3;
	_ =	sdelay $0x2  }
0x37: {  	[tilespmem:s13], [sflag:$0x2] =	stream.indirect_vreg.gather [hbm4b:s3+s28], $0x80, v4, vm0, $0xb8;
	[tilespmem:$0xA080] =	vst v63  }
0x38: {  	_ = 	snop  }
0x39: {  	[tilespmem:s14], [sflag:$0x2] =	stream.indirect_vreg.gather [hbm4b:s3+s28], $0x80, v3, vm0, $0xb8;
	[tilespmem:$0xA080] =	vst v63  }
0x3a: {  	v3 =	vld [tilespmem:$0x20];
	_ =	sdelay $0x4  }
0x3b: {  	v4 =	vshll.u32 v3, $0x1  }
0x3c: {  	v3 =	vand.u32 $0x7, v3;
	v4 =	vand.u32 $0xFFFFFFF0, v4  }
0x3d: {  	v3 =	vor.u32 v3, v4  }
0x3e: {  	v4 =	vperm.xlane v3, v0;
	_ =	sdelay $0x1  }
0x3f: {  	v3 =	vperm.xlane v3, v2;
	v4 =	vadd.s32 v1, v4;
	_ =	sdelay $0x1  }
0x40: {  	v3 =	vadd.s32 v1, v3;
	_ =	sdelay $0x2  }
0x41: {  	[tilespmem:s15], [sflag:$0x2] =	stream.indirect_vreg.gather [hbm4b:s3+s28], $0x80, v4, vm0, $0xb8;
	[tilespmem:$0xA080] =	vst v63  }
0x42: {  	_ = 	snop  }
0x43: {  	[tilespmem:s16], [sflag:$0x2] =	stream.indirect_vreg.gather [hbm4b:s3+s28], $0x80, v3, vm0, $0xb8;
	[tilespmem:$0xA080] =	vst v63  }
0x44: {  	v3 =	vld [tilespmem:$0x30];
	_ =	sdelay $0x4  }
0x45: {  	v4 =	vshll.u32 v3, $0x1  }
0x46: {  	v3 =	vand.u32 $0x7, v3;
	v4 =	vand.u32 $0xFFFFFFF0, v4  }
0x47: {  	v3 =	vor.u32 v3, v4  }
0x48: {  	v4 =	vperm.xlane v3, v0;
	_ =	sdelay $0x1  }
0x49: {  	v3 =	vperm.xlane v3, v2;
	v4 =	vadd.s32 v1, v4;
	_ =	sdelay $0x1  }
0x4a: {  	v3 =	vadd.s32 v1, v3;
	_ =	sdelay $0x2  }
0x4b: {  	[tilespmem:s17], [sflag:$0x2] =	stream.indirect_vreg.gather [hbm4b:s3+s28], $0x80, v4, vm0, $0xb8;
	[tilespmem:$0xA080] =	vst v63  }
0x4c: {  	_ = 	snop  }
0x4d: {  	[tilespmem:s18], [sflag:$0x2] =	stream.indirect_vreg.gather [hbm4b:s3+s28], $0x80, v3, vm0, $0xb8;
	[tilespmem:$0xA080] =	vst v63  }
0x4e: {  	v3 =	vld [tilespmem:$0x40];
	_ =	sdelay $0x4  }
0x4f: {  	v4 =	vshll.u32 v3, $0x1  }
0x50: {  	v3 =	vand.u32 $0x7, v3;
	v4 =	vand.u32 $0xFFFFFFF0, v4  }
0x51: {  	v3 =	vor.u32 v3, v4  }
0x52: {  	v4 =	vperm.xlane v3, v0;
	_ =	sdelay $0x1  }
0x53: {  	v3 =	vperm.xlane v3, v2;
	v4 =	vadd.s32 v1, v4;
	_ =	sdelay $0x1  }
0x54: {  	v3 =	vadd.s32 v1, v3;
	_ =	sdelay $0x2  }
0x55: {  	[tilespmem:s19], [sflag:$0x2] =	stream.indirect_vreg.gather [hbm4b:s3+s28], $0x80, v4, vm0, $0xb8;
	[tilespmem:$0xA080] =	vst v63  }
0x56: {  	_ = 	snop  }
0x57: {  	[tilespmem:s20], [sflag:$0x2] =	stream.indirect_vreg.gather [hbm4b:s3+s28], $0x80, v3, vm0, $0xb8;
	[tilespmem:$0xA080] =	vst v63  }
0x58: {  	_ =	swait.ge [sflag:s21], $0x5000  }
0x59: {  	[sflag:s21] =	ssyncset.done $0x0  }
0x5a: {  	[sflag:s21] =	ssyncadd.s32 $0xFFFFB000  }
0x5b: {  	_ =	swait.ge [sflag:s22], $0x5000  }
0x5c: {  	s29 =	sand.u32 $0x7800, s28;
	s28 =	sand.u32 $0x300, s28;
	[sflag:s22] =	ssyncset.done $0x0  }
0x5d: {  	s28 =	sor.u32 s28, s29;
	[sflag:s22] =	ssyncadd.s32 $0xFFFFB000  }
0x5e: {  	v9 =	vld [tilespmem:s28+$0x80]  }
0x5f: {  	v10 =	vld [tilespmem:s28+$0x90]  }
0x60: {  	v11 =	vld [tilespmem:s28+$0xA0]  }
0x61: {  	v12 =	vld [tilespmem:s28+$0xB0]  }
0x62: {  	v13 =	vld [tilespmem:s28+$0xC0]  }
0x63: {  	v14 =	vld [tilespmem:s28+$0xD0]  }
0x64: {  	v15 =	vld [tilespmem:s28+$0xE0]  }
0x65: {  	v16 =	vld [tilespmem:s28+$0xF0]  }
0x66: {  	v17 =	vld [tilespmem:s28+$0x480]  }
0x67: {  	v18 =	vld [tilespmem:s28+$0x490]  }
0x68: {  	v19 =	vld [tilespmem:s28+$0x4A0]  }
0x69: {  	v20 =	vld [tilespmem:s28+$0x4B0]  }
0x6a: {  	v21 =	vld [tilespmem:s28+$0x4C0]  }
0x6b: {  	v22 =	vld [tilespmem:s28+$0x4D0]  }
0x6c: {  	v23 =	vld [tilespmem:s28+$0x4E0]  }
0x6d: {  	v24 =	vld [tilespmem:s28+$0x4F0]  }
0x6e: {  	v25 =	vld [tilespmem:s28+$0x100]  }
0x6f: {  	v26 =	vld [tilespmem:s28+$0x110]  }
0x70: {  	v27 =	vld [tilespmem:s28+$0x120]  }
0x71: {  	v28 =	vld [tilespmem:s28+$0x130]  }
0x72: {  	v29 =	vld [tilespmem:s28+$0x140]  }
0x73: {  	v30 =	vld [tilespmem:s28+$0x150]  }
0x74: {  	v31 =	vld [tilespmem:s28+$0x160]  }
0x75: {  	v32 =	vld [tilespmem:s28+$0x170]  }
0x76: {  	v33 =	vld [tilespmem:s28+$0x500]  }
0x77: {  	v34 =	vld [tilespmem:s28+$0x510]  }
0x78: {  	v8 =	vld [tilespmem:s28+$0x520]  }
0x79: {  	v7 =	vld [tilespmem:s28+$0x530]  }
0x7a: {  	v6 =	vld [tilespmem:s28+$0x540]  }
0x7b: {  	v5 =	vld [tilespmem:s28+$0x550]  }
0x7c: {  	v4 =	vld [tilespmem:s28+$0x560]  }
0x7d: {  	v3 =	vld [tilespmem:s28+$0x570]  }
0x7e: {  	v35 =	vld [tilespmem:s28+$0x5080]  }
0x7f: {  	v36 =	vld [tilespmem:s28+$0x5090]  }
0x80: {  	v37 =	vld [tilespmem:s28+$0x50A0]  }
0x81: {  	v38 =	vld [tilespmem:s28+$0x50B0]  }
0x82: {  	v39 =	vld [tilespmem:s28+$0x50C0]  }
0x83: {  	v62 =	vld [tilespmem:s28+$0x50D0];
	v9 =	vadd.f32 v9, v35  }
0x84: {  	v63 =	vld [tilespmem:s28+$0x50E0];
	v10 =	vadd.f32 v10, v36  }
0x85: {  	[tilespmem:s28+$0x5080] =	vst v9;
	v9 =	vadd.f32 v11, v37;
	v11 =	vld [tilespmem:s28+$0x50F0]  }
0x86: {  	[tilespmem:s28+$0x5090] =	vst v10;
	v10 =	vadd.f32 v12, v38;
	v12 =	vld [tilespmem:s28+$0x5480]  }
0x87: {  	[tilespmem:s28+$0x50A0] =	vst v9;
	v9 =	vadd.f32 v13, v39;
	v13 =	vld [tilespmem:s28+$0x5490]  }
0x88: {  	[tilespmem:s28+$0x50B0] =	vst v10;
	v10 =	vadd.f32 v14, v62;
	v14 =	vld [tilespmem:s28+$0x54A0]  }
0x89: {  	[tilespmem:s28+$0x50C0] =	vst v9;
	v9 =	vadd.f32 v15, v63;
	v15 =	vld [tilespmem:s28+$0x54B0]  }
0x8a: {  	[tilespmem:s28+$0x50D0] =	vst v10;
	v10 =	vadd.f32 v16, v11;
	v11 =	vld [tilespmem:s28+$0x54C0]  }
0x8b: {  	[tilespmem:s28+$0x50E0] =	vst v9;
	v9 =	vadd.f32 v17, v12;
	v12 =	vld [tilespmem:s28+$0x54D0]  }
0x8c: {  	[tilespmem:s28+$0x50F0] =	vst v10;
	v10 =	vadd.f32 v18, v13;
	v13 =	vld [tilespmem:s28+$0x54E0]  }
0x8d: {  	[tilespmem:s28+$0x5480] =	vst v9;
	v9 =	vadd.f32 v19, v14;
	v14 =	vld [tilespmem:s28+$0x54F0]  }
0x8e: {  	[tilespmem:s28+$0x5490] =	vst v10;
	v10 =	vadd.f32 v20, v15;
	v15 =	vld [tilespmem:s28+$0x5100]  }
0x8f: {  	[tilespmem:s28+$0x54A0] =	vst v9;
	v9 =	vadd.f32 v21, v11;
	v11 =	vld [tilespmem:s28+$0x5110]  }
0x90: {  	[tilespmem:s28+$0x54B0] =	vst v10;
	v10 =	vadd.f32 v22, v12;
	v12 =	vld [tilespmem:s28+$0x5120]  }
0x91: {  	[tilespmem:s28+$0x54C0] =	vst v9;
	v9 =	vadd.f32 v23, v13;
	v13 =	vld [tilespmem:s28+$0x5130]  }
0x92: {  	[tilespmem:s28+$0x54D0] =	vst v10;
	v10 =	vadd.f32 v24, v14;
	v14 =	vld [tilespmem:s28+$0x5140]  }
0x93: {  	[tilespmem:s28+$0x54E0] =	vst v9;
	v9 =	vadd.f32 v25, v15;
	v15 =	vld [tilespmem:s28+$0x5150]  }
0x94: {  	[tilespmem:s28+$0x54F0] =	vst v10;
	v10 =	vadd.f32 v26, v11;
	v11 =	vld [tilespmem:s28+$0x5160]  }
0x95: {  	[tilespmem:s28+$0x5100] =	vst v9;
	v9 =	vadd.f32 v27, v12;
	v12 =	vld [tilespmem:s28+$0x5170]  }
0x96: {  	[tilespmem:s28+$0x5110] =	vst v10;
	v10 =	vadd.f32 v28, v13;
	v13 =	vld [tilespmem:s28+$0x5500]  }
0x97: {  	v16 =	vld [tilespmem:s28+$0x5510];
	[tilespmem:s28+$0x5120] =	vst v9;
	v9 =	vadd.f32 v29, v14  }
0x98: {  	[tilespmem:s28+$0x5130] =	vst v10;
	v14 =	vadd.f32 v30, v15;
	v10 =	vld [tilespmem:s28+$0x5520]  }
0x99: {  	[tilespmem:s28+$0x5140] =	vst v9;
	v15 =	vadd.f32 v31, v11;
	v9 =	vld [tilespmem:s28+$0x5530]  }
0x9a: {  	v11 =	vld [tilespmem:s28+$0x5540];
	[tilespmem:s28+$0x5150] =	vst v14;
	v17 =	vadd.f32 v32, v12  }
0x9b: {  	v12 =	vld [tilespmem:s28+$0x5550];
	[tilespmem:s28+$0x5160] =	vst v15;
	v14 =	vadd.f32 v33, v13  }
0x9c: {  	s30 =	simm.s32 $0x100;
	s31 =	simm.s32 $0x200;
	s29 =	simm.s32 $0x0;
	v15 =	vadd.f32 v34, v16;
	v13 =	vld [tilespmem:s28+$0x5560];
	[tilespmem:s28+$0x5170] =	vst v17  }
.LBB2_4:
0x9d: {  	s0 =	sand.u32 $0x7800, s31;
	s8 =	sand.u32 $0x300, s30;
	[tilespmem:s28+$0x5500] =	vst v14;
	v8 =	vadd.f32 v8, v10;
	v10 =	vld [tilespmem:s28+$0x5570]  }
0x9e: {  	s0 =	sor.u32 s8, s0;
	[tilespmem:s28+$0x5510] =	vst v15;
	v7 =	vadd.f32 v7, v9  }
0x9f: {  	v9 =	vld [tilespmem:s0+$0x80];
	[tilespmem:s28+$0x5520] =	vst v8;
	v6 =	vadd.f32 v6, v11  }
0xa0: {  	v11 =	vld [tilespmem:s0+$0x90];
	[tilespmem:s28+$0x5530] =	vst v7;
	v5 =	vadd.f32 v5, v12  }
0xa1: {  	v12 =	vld [tilespmem:s0+$0xA0];
	[tilespmem:s28+$0x5540] =	vst v6;
	v4 =	vadd.f32 v4, v13  }
0xa2: {  	v13 =	vld [tilespmem:s0+$0xB0];
	[tilespmem:s28+$0x5550] =	vst v5;
	v3 =	vadd.f32 v3, v10  }
0xa3: {  	v10 =	vld [tilespmem:s0+$0xC0];
	[tilespmem:s28+$0x5560] =	vst v4  }
0xa4: {  	v14 =	vld [tilespmem:s0+$0xD0];
	[tilespmem:s28+$0x5570] =	vst v3;
	s28 =	smov.u32 s0  }
0xa5: {  	v15 =	vld [tilespmem:s28+$0xE0]  }
0xa6: {  	v16 =	vld [tilespmem:s28+$0xF0]  }
0xa7: {  	v17 =	vld [tilespmem:s28+$0x480]  }
0xa8: {  	v18 =	vld [tilespmem:s28+$0x490]  }
0xa9: {  	v19 =	vld [tilespmem:s28+$0x4A0]  }
0xaa: {  	v20 =	vld [tilespmem:s28+$0x4B0]  }
0xab: {  	v21 =	vld [tilespmem:s28+$0x4C0]  }
0xac: {  	v22 =	vld [tilespmem:s28+$0x4D0]  }
0xad: {  	v23 =	vld [tilespmem:s28+$0x4E0]  }
0xae: {  	v24 =	vld [tilespmem:s28+$0x4F0]  }
0xaf: {  	v25 =	vld [tilespmem:s28+$0x100]  }
0xb0: {  	v26 =	vld [tilespmem:s28+$0x110]  }
0xb1: {  	v27 =	vld [tilespmem:s28+$0x120]  }
0xb2: {  	v28 =	vld [tilespmem:s28+$0x130]  }
0xb3: {  	v29 =	vld [tilespmem:s28+$0x140]  }
0xb4: {  	v30 =	vld [tilespmem:s28+$0x150]  }
0xb5: {  	v31 =	vld [tilespmem:s28+$0x160]  }
0xb6: {  	v32 =	vld [tilespmem:s28+$0x170]  }
0xb7: {  	v33 =	vld [tilespmem:s28+$0x500]  }
0xb8: {  	v34 =	vld [tilespmem:s28+$0x510]  }
0xb9: {  	v8 =	vld [tilespmem:s28+$0x520]  }
0xba: {  	v7 =	vld [tilespmem:s28+$0x530]  }
0xbb: {  	v6 =	vld [tilespmem:s28+$0x540]  }
0xbc: {  	v5 =	vld [tilespmem:s28+$0x550]  }
0xbd: {  	v4 =	vld [tilespmem:s28+$0x560]  }
0xbe: {  	v3 =	vld [tilespmem:s28+$0x570]  }
0xbf: {  	v35 =	vld [tilespmem:s28+$0x5080]  }
0xc0: {  	v36 =	vld [tilespmem:s28+$0x5090]  }
0xc1: {  	v37 =	vld [tilespmem:s28+$0x50A0]  }
0xc2: {  	v38 =	vld [tilespmem:s28+$0x50B0]  }
0xc3: {  	v39 =	vld [tilespmem:s28+$0x50C0]  }
0xc4: {  	v9 =	vadd.f32 v9, v35;
	v35 =	vld [tilespmem:s28+$0x50D0]  }
0xc5: {  	v11 =	vadd.f32 v11, v36;
	v36 =	vld [tilespmem:s28+$0x50E0]  }
0xc6: {  	[tilespmem:s28+$0x5080] =	vst v9;
	v9 =	vadd.f32 v12, v37;
	v12 =	vld [tilespmem:s28+$0x50F0]  }
0xc7: {  	[tilespmem:s28+$0x5090] =	vst v11;
	v11 =	vadd.f32 v13, v38;
	v13 =	vld [tilespmem:s28+$0x5480]  }
0xc8: {  	[tilespmem:s28+$0x50A0] =	vst v9;
	v9 =	vadd.f32 v10, v39;
	v10 =	vld [tilespmem:s28+$0x5490]  }
0xc9: {  	[tilespmem:s28+$0x50B0] =	vst v11;
	v11 =	vadd.f32 v14, v35;
	v14 =	vld [tilespmem:s28+$0x54A0]  }
0xca: {  	[tilespmem:s28+$0x50C0] =	vst v9;
	v9 =	vadd.f32 v15, v36;
	v15 =	vld [tilespmem:s28+$0x54B0]  }
0xcb: {  	[tilespmem:s28+$0x50D0] =	vst v11;
	v11 =	vadd.f32 v16, v12;
	v12 =	vld [tilespmem:s28+$0x54C0]  }
0xcc: {  	[tilespmem:s28+$0x50E0] =	vst v9;
	v9 =	vadd.f32 v17, v13;
	v13 =	vld [tilespmem:s28+$0x54D0]  }
0xcd: {  	[tilespmem:s28+$0x50F0] =	vst v11;
	v10 =	vadd.f32 v18, v10;
	v11 =	vld [tilespmem:s28+$0x54E0]  }
0xce: {  	[tilespmem:s28+$0x5480] =	vst v9;
	v9 =	vadd.f32 v19, v14;
	v14 =	vld [tilespmem:s28+$0x54F0]  }
0xcf: {  	[tilespmem:s28+$0x5490] =	vst v10;
	v10 =	vadd.f32 v20, v15;
	v15 =	vld [tilespmem:s28+$0x5100]  }
0xd0: {  	[tilespmem:s28+$0x54A0] =	vst v9;
	v9 =	vadd.f32 v21, v12;
	v12 =	vld [tilespmem:s28+$0x5110]  }
0xd1: {  	[tilespmem:s28+$0x54B0] =	vst v10;
	v10 =	vadd.f32 v22, v13;
	v13 =	vld [tilespmem:s28+$0x5120]  }
0xd2: {  	[tilespmem:s28+$0x54C0] =	vst v9;
	v9 =	vadd.f32 v23, v11;
	v11 =	vld [tilespmem:s28+$0x5130]  }
0xd3: {  	[tilespmem:s28+$0x54D0] =	vst v10;
	v10 =	vadd.f32 v24, v14;
	v14 =	vld [tilespmem:s28+$0x5140]  }
0xd4: {  	[tilespmem:s28+$0x54E0] =	vst v9;
	v9 =	vadd.f32 v25, v15;
	v15 =	vld [tilespmem:s28+$0x5150]  }
0xd5: {  	[tilespmem:s28+$0x54F0] =	vst v10;
	v10 =	vadd.f32 v26, v12;
	v12 =	vld [tilespmem:s28+$0x5160]  }
0xd6: {  	[tilespmem:s28+$0x5100] =	vst v9;
	v9 =	vadd.f32 v27, v13;
	v13 =	vld [tilespmem:s28+$0x5170]  }
0xd7: {  	s29 =	sadd.s32 $0x2, s29;
	[tilespmem:s28+$0x5110] =	vst v10;
	v10 =	vadd.f32 v28, v11;
	v16 =	vld [tilespmem:s28+$0x5500]  }
0xd8: {  	p0 =	slt.u32 s29, $0x4E;
	[tilespmem:s28+$0x5120] =	vst v9;
	v9 =	vadd.f32 v29, v14;
	v17 =	vld [tilespmem:s28+$0x5510]  }
.Ltmp5:
0xd9: {  	[tilespmem:s28+$0x5130] =	vst v10;
	v11 =	vadd.f32 v30, v15;
	v10 =	vld [tilespmem:s28+$0x5520];
	(pc) =	sbr.rel @p0 .LBB2_4-.Ltmp5, $4  }
0xda: {  	[tilespmem:s28+$0x5140] =	vst v9;
	v12 =	vadd.f32 v31, v12;
	v9 =	vld [tilespmem:s28+$0x5530]  }
0xdb: {  	[tilespmem:s28+$0x5150] =	vst v11;
	v13 =	vadd.f32 v32, v13;
	v11 =	vld [tilespmem:s28+$0x5540]  }
0xdc: {  	[tilespmem:s28+$0x5160] =	vst v12;
	v14 =	vadd.f32 v33, v16;
	v12 =	vld [tilespmem:s28+$0x5550]  }
0xdd: {  	s30 =	sadd.s32 $0x100, s30;
	s31 =	sadd.s32 $0x200, s31;
	[tilespmem:s28+$0x5170] =	vst v13;
	v15 =	vadd.f32 v34, v17;
	v13 =	vld [tilespmem:s28+$0x5560]  }
0xde: {  	[tilespmem:s28+$0x5500] =	vst v14;
	v8 =	vadd.f32 v8, v10;
	v63 =	vld [tilespmem:s28+$0x5570]  }
0xdf: {  	[tilespmem:s28+$0x5510] =	vst v15;
	v7 =	vadd.f32 v7, v9  }
0xe0: {  	[tilespmem:s28+$0x5520] =	vst v8;
	v6 =	vadd.f32 v6, v11  }
0xe1: {  	[tilespmem:s28+$0x5530] =	vst v7;
	v5 =	vadd.f32 v5, v12  }
0xe2: {  	[tilespmem:s28+$0x5540] =	vst v6;
	v4 =	vadd.f32 v4, v13  }
0xe3: {  	[tilespmem:s28+$0x5550] =	vst v5;
	v3 =	vadd.f32 v3, v63  }
0xe4: {  	[tilespmem:s28+$0x5560] =	vst v4  }
.Ltmp6:
0xe5: {  	s0 =	sadd.s32 s4, s26;
	[tilespmem:s28+$0x5570] =	vst v3;
	(pc) =	sbr.rel .LBB2_6-.Ltmp6, $4  }
0xe6: {  	[hbm4b:s0+s5] =	stream.linear.scatter [tilespmem:s11], [sflag:$0x3], $0x5000, $0x38;
	[tilespmem:$0xA080] =	vst v63  }
0xe7: {  	_ =	swait.ge [sflag:s23], $0x5000  }
0xe8: {  	[sflag:s23] =	ssyncset.done $0x0  }
0xe9: {  	[sflag:s23] =	ssyncadd.s32 $0xFFFFB000  }
.LBB2_8:
0xea: {  	_ =	sfence.sel $0x180000  }
0xeb: {  	[bflag:$0x0] =	sbarrier.arrive $0xFFFF  }
0xec: {  	_ =	strace $0x90000047  }
0xed: {  	[bflag:$0x2] =	sbarrier.arrive $0xFFFF  }
0xee: {  	p0 =	sne.s32 s6, $0x0;
	s0 =	rddreg [dreg:$0x4]  }
0xef: {  	s0 =	sadd.s32 @!p0 $0x100000, s0  }
0xf0: {  	[sflag:s0] =	ssyncadd.tile.s32 @!p0 $0x1;
	_ =	shalt  }
.Lfunc_end2:
_tile_overlayer_lowered:
.L_overlay_start_2:
0xf1: {  	(tag) =	ssettag $0x2  }
0xf2: {  	s0 =	rddreg [dreg:$0x0];
	s2 =	stileid.u32  }
0xf3: {  	s1 =	rddreg [dreg:$0x1];
	p0 =	sne.s32 s2, $0x0  }
0xf4: {  	s3 =	rddreg [dreg:$0x2];
	[bflag:$0x3] =	sbarrier.arrive $0xFFFF;
	s2 =	simm.s32 @!p0 $0x1C03  }
0xf5: {  	[timem:s3], [sflag:s2] =	dma.local @!p0 [hbm:s0], s1  }
0xf6: {  	s0 =	simm.s32 @!p0 $0x3  }
0xf7: {  	_ =	swait.ge @!p0 [sflag:s0], s1  }
0xf8: {  	s1 =	ssub.s32 @!p0 $0x0, s1;
	[sflag:s0] =	ssyncset.done @!p0 $0x0  }
0xf9: {  	[sflag:s0] =	ssyncadd.s32 @!p0 s1  }
0xfa: {  	[bflag:$0x3] =	sbarrier.arrive $0xFFFF  }
0xfb: {  	_ =	shalt  }

</sc_bundles>
